<compile_context>
chip_gen: v7x
topology: tpu7x:2x2x1
jax: 0.10.2.dev20260603
libtpu: 0.0.44.dev20260713+nightly
codegen_flags: <defaults>
</compile_context>

<pallas_src>
import functools

import jax
import jax.numpy as jnp
from jax import lax
from jax.experimental import pallas as pl
from jax.experimental.pallas import tpu as pltpu
from jax.experimental.pallas import tpu_sc as plsc

B = 4096
H = 200
D = 32

_info = plsc.get_sparse_core_info()
NC = _info.num_cores
NS = _info.num_subcores
NW = NC * NS
ROWS_W = B // NW
NBUF = 8

_mesh = plsc.VectorSubcoreMesh(core_axis_name="c", subcore_axis_name="s")


@functools.partial(
    pl.kernel,
    mesh=_mesh,
    out_type=jax.ShapeDtypeStruct((B, H, D), jnp.float32),
    scratch_types=[
        pltpu.VMEM((ROWS_W, H), jnp.int32),
        pltpu.VMEM((NBUF, H, D), jnp.float32),
        [pltpu.SemaphoreType.DMA] * NBUF,
        [pltpu.SemaphoreType.DMA] * NBUF,
    ],
    compiler_params=pltpu.CompilerParams(use_tc_tiling_on_sc=False),
)
def _gather(idx_hbm, table_hbm, out_hbm, idx_v, rows_v, gsem, ssem):
    wid = lax.axis_index("s") * NC + lax.axis_index("c")
    base = wid * ROWS_W

    pltpu.sync_copy(idx_hbm.at[pl.ds(base, ROWS_W)], idx_v)

    def g_issue(r, b):
        pltpu.async_copy(table_hbm.at[idx_v.at[r]], rows_v.at[b], gsem[b])

    def g_wait(b):
        pltpu.make_async_copy(out_hbm.at[0], rows_v.at[b], gsem[b]).wait()

    def s_issue(r, b):
        pltpu.async_copy(rows_v.at[b], out_hbm.at[base + r], ssem[b])

    def s_wait(b):
        pltpu.make_async_copy(rows_v.at[b], out_hbm.at[0], ssem[b]).wait()

    for b in range(NBUF):
        g_issue(b, b)

    @pl.loop(0, ROWS_W // NBUF - 1)
    def _round(k):
        r0 = k * NBUF
        for b in range(NBUF):
            g_wait(b)
            s_issue(r0 + b, b)
            s_wait(b)
            g_issue(r0 + NBUF + b, b)

    r0 = ROWS_W - NBUF
    for b in range(NBUF):
        g_wait(b)
        s_issue(r0 + b, b)
    for b in range(NBUF):
        s_wait(b)


def kernel(ego_feature, token_table):
    return _gather(ego_feature, token_table)

# --- scband reference (transcript-rebuilt; emitter-appended) ---
"""Pipeline reference for scband-trajectory-generator-48722109006209 (READ-ONLY COPY).

The authoritative reference and input builder live on the scoring server;
editing this copy changes nothing except your own understanding.
"""

import jax, jax.numpy as jnp
import numpy as np

TOKEN_NUMS = 1000000
EMBED_DIM = 32
BATCH = 4096
HIST = 200


def setup_inputs(seed: int = 0) -> dict:
    key = jax.random.key(seed)
    k_idx, k_tab = jax.random.split(key)
    # ego_feature: token indices into the embedding table (vocab = token_nums + 3)
    ego_feature = jax.random.randint(k_idx, (BATCH, HIST), 0, TOKEN_NUMS + 3, dtype=jnp.int32)
    # learned parameter: nn.Embedding(token_nums + 3, embedding_dim) weight
    token_table = jax.random.normal(k_tab, (TOKEN_NUMS + 3, EMBED_DIM), dtype=jnp.float32)
    return {"ego_feature": ego_feature, "token_table": token_table}


def reference(ego_feature, token_table):
    # TrajectoryGenerator.forward: token_embedding = self.token_embedding(data['ego_feature'])
    token_embedding = jnp.take(token_table, ego_feature, axis=0)
    return token_embedding

if __name__ == "__main__":
    import jax
    _d = setup_inputs()
    print(jax.jit(kernel)(*tuple(_d.values())))

</pallas_src>

<mosaic_0001>
#map = affine_map<(d0, d1) -> (0, 0)>
#map1 = affine_map<(d0, d1) -> (0, 0, 0)>
module attributes {stable_mosaic.version = 14 : i64} {
  func.func @_gather(%arg0: i32, %arg1: i32, %arg2: memref<4096x200xi32, #tpu.memory_space<hbm>>, %arg3: memref<1000003x32xf32, #tpu.memory_space<hbm>>, %arg4: memref<4096x200x32xf32, #tpu.memory_space<hbm>>, %arg5: memref<128x200xi32, #tpu.memory_space<vmem>>, %arg6: memref<8x200x32xf32, #tpu.memory_space<vmem>>, %arg7: memref<!tpu.dma_semaphore, #tpu.memory_space<semaphore_mem>>, %arg8: memref<!tpu.dma_semaphore, #tpu.memory_space<semaphore_mem>>, %arg9: memref<!tpu.dma_semaphore, #tpu.memory_space<semaphore_mem>>, %arg10: memref<!tpu.dma_semaphore, #tpu.memory_space<semaphore_mem>>, %arg11: memref<!tpu.dma_semaphore, #tpu.memory_space<semaphore_mem>>, %arg12: memref<!tpu.dma_semaphore, #tpu.memory_space<semaphore_mem>>, %arg13: memref<!tpu.dma_semaphore, #tpu.memory_space<semaphore_mem>>, %arg14: memref<!tpu.dma_semaphore, #tpu.memory_space<semaphore_mem>>, %arg15: memref<!tpu.dma_semaphore, #tpu.memory_space<semaphore_mem>>, %arg16: memref<!tpu.dma_semaphore, #tpu.memory_space<semaphore_mem>>, %arg17: memref<!tpu.dma_semaphore, #tpu.memory_space<semaphore_mem>>, %arg18: memref<!tpu.dma_semaphore, #tpu.memory_space<semaphore_mem>>, %arg19: memref<!tpu.dma_semaphore, #tpu.memory_space<semaphore_mem>>, %arg20: memref<!tpu.dma_semaphore, #tpu.memory_space<semaphore_mem>>, %arg21: memref<!tpu.dma_semaphore, #tpu.memory_space<semaphore_mem>>, %arg22: memref<!tpu.dma_semaphore, #tpu.memory_space<semaphore_mem>>) attributes {dimension_semantics = [#tpu.dimension_semantics<core_parallel>, #tpu.dimension_semantics<subcore_parallel>], iteration_bounds = array<i64: 2, 16>, scalar_prefetch = 0 : i64, scratch_operands = 18 : i64, tpu.core_type = #tpu.core_type<sc_vector_subcore>, window_params = [{transform_indices = #map}, {transform_indices = #map}, {transform_indices = #map1}]} {
    %mul3A = arith.constant 2 : i32
    %mul3A_0 = arith.muli %arg1, %mul3A : i32
    %add3A = arith.addi %mul3A_0, %arg0 : i32
    %mul3A_1 = arith.constant 128 : i32
    %mul3A_2 = arith.muli %add3A, %mul3A_1 : i32
    "tpu.region"() ({
      %run_scoped3A = tpu.sem_alloc : memref<!tpu.dma_semaphore, #tpu.memory_space<semaphore_mem>>
      %dma_start3A_541 = arith.constant 0 : i32
      %dma_start3A_542 = tpu.memref_slice %arg2[%mul3A_2, %dma_start3A_541] : memref<4096x200xi32, #tpu.memory_space<hbm>> -> memref<128x200xi32, #tpu.memory_space<hbm>>
      %dma_start3A_543 = arith.constant 0 : i32
      %dma_start3A_544 = tpu.memref_slice %arg2[%mul3A_2, %dma_start3A_543] : memref<4096x200xi32, #tpu.memory_space<hbm>> -> memref<128x200xi32, #tpu.memory_space<hbm>>
      tpu.enqueue_dma source(%dma_start3A_544 : memref<128x200xi32, #tpu.memory_space<hbm>>) target(%arg5 : memref<128x200xi32, #tpu.memory_space<vmem>>) target_semaphore(%run_scoped3A : memref<!tpu.dma_semaphore, #tpu.memory_space<semaphore_mem>>)
      %dma_wait3A_545 = arith.constant 0 : i32
      %dma_wait3A_546 = tpu.memref_slice %arg2[%mul3A_2, %dma_wait3A_545] : memref<4096x200xi32, #tpu.memory_space<hbm>> -> memref<128x200xi32, #tpu.memory_space<hbm>>
      %dma_wait3A_547 = arith.constant 0 : i32
      %dma_wait3A_548 = tpu.memref_slice %arg2[%mul3A_2, %dma_wait3A_547] : memref<4096x200xi32, #tpu.memory_space<hbm>> -> memref<128x200xi32, #tpu.memory_space<hbm>>
      tpu.wait_dma2 semaphore(%run_scoped3A : memref<!tpu.dma_semaphore, #tpu.memory_space<semaphore_mem>>) src(%dma_wait3A_548 : memref<128x200xi32, #tpu.memory_space<hbm>>) dst(%arg5 : memref<128x200xi32, #tpu.memory_space<vmem>>)
      tpu.yield
    }) : () -> ()
    %dma_start3A = arith.constant 0 : i32
    %dma_start3A_3 = arith.constant 0 : i32
    %dma_start3A_4 = arith.constant 0 : i32
    %dma_start3A_5 = arith.constant 0 : i32
    %dma_start3A_6 = tpu.memref_slice %arg6[%dma_start3A_3, %dma_start3A_4, %dma_start3A_5] : memref<8x200x32xf32, #tpu.memory_space<vmem>> -> memref<1x200x32xf32, #tpu.memory_space<vmem>>
    %dma_start3A_7 = tpu.memref_squeeze %dma_start3A_6 : memref<1x200x32xf32, #tpu.memory_space<vmem>> -> memref<200x32xf32, #tpu.memory_space<vmem>>
    %dma_start3A_8 = arith.constant 0 : i32
    %dma_start3A_9 = tpu.memref_slice %arg5[%dma_start3A, %dma_start3A_8] : memref<128x200xi32, #tpu.memory_space<vmem>> -> memref<1x200xi32, #tpu.memory_space<vmem>>
    %dma_start3A_10 = tpu.memref_squeeze %dma_start3A_9 : memref<1x200xi32, #tpu.memory_space<vmem>> -> memref<200xi32, #tpu.memory_space<vmem>>
    %dma_start3A_11 = arith.constant 0 : i32
    %dma_start3A_12 = arith.constant 0 : i32
    %dma_start3A_13 = tpu.memref_slice %arg3[%dma_start3A_11, %dma_start3A_12] : memref<1000003x32xf32, #tpu.memory_space<hbm>> -> memref<1000003x32xf32, #tpu.memory_space<hbm>>
    tpu.enqueue_indirect_dma source(%dma_start3A_13 : memref<1000003x32xf32, #tpu.memory_space<hbm>>) target(%dma_start3A_7 : memref<200x32xf32, #tpu.memory_space<vmem>>) offsets(%dma_start3A_10 : memref<200xi32, #tpu.memory_space<vmem>>) semaphore(%arg7 : memref<!tpu.dma_semaphore, #tpu.memory_space<semaphore_mem>>)
    %dma_start3A_14 = arith.constant 1 : i32
    %dma_start3A_15 = arith.constant 1 : i32
    %dma_start3A_16 = arith.constant 0 : i32
    %dma_start3A_17 = arith.constant 0 : i32
    %dma_start3A_18 = tpu.memref_slice %arg6[%dma_start3A_15, %dma_start3A_16, %dma_start3A_17] : memref<8x200x32xf32, #tpu.memory_space<vmem>> -> memref<1x200x32xf32, #tpu.memory_space<vmem>>
    %dma_start3A_19 = tpu.memref_squeeze %dma_start3A_18 : memref<1x200x32xf32, #tpu.memory_space<vmem>> -> memref<200x32xf32, #tpu.memory_space<vmem>>
    %dma_start3A_20 = arith.constant 0 : i32
    %dma_start3A_21 = tpu.memref_slice %arg5[%dma_start3A_14, %dma_start3A_20] : memref<128x200xi32, #tpu.memory_space<vmem>> -> memref<1x200xi32, #tpu.memory_space<vmem>>
    %dma_start3A_22 = tpu.memref_squeeze %dma_start3A_21 : memref<1x200xi32, #tpu.memory_space<vmem>> -> memref<200xi32, #tpu.memory_space<vmem>>
    %dma_start3A_23 = arith.constant 0 : i32
    %dma_start3A_24 = arith.constant 0 : i32
    %dma_start3A_25 = tpu.memref_slice %arg3[%dma_start3A_23, %dma_start3A_24] : memref<1000003x32xf32, #tpu.memory_space<hbm>> -> memref<1000003x32xf32, #tpu.memory_space<hbm>>
    tpu.enqueue_indirect_dma source(%dma_start3A_25 : memref<1000003x32xf32, #tpu.memory_space<hbm>>) target(%dma_start3A_19 : memref<200x32xf32, #tpu.memory_space<vmem>>) offsets(%dma_start3A_22 : memref<200xi32, #tpu.memory_space<vmem>>) semaphore(%arg8 : memref<!tpu.dma_semaphore, #tpu.memory_space<semaphore_mem>>)
    %dma_start3A_26 = arith.constant 2 : i32
    %dma_start3A_27 = arith.constant 2 : i32
    %dma_start3A_28 = arith.constant 0 : i32
    %dma_start3A_29 = arith.constant 0 : i32
    %dma_start3A_30 = tpu.memref_slice %arg6[%dma_start3A_27, %dma_start3A_28, %dma_start3A_29] : memref<8x200x32xf32, #tpu.memory_space<vmem>> -> memref<1x200x32xf32, #tpu.memory_space<vmem>>
    %dma_start3A_31 = tpu.memref_squeeze %dma_start3A_30 : memref<1x200x32xf32, #tpu.memory_space<vmem>> -> memref<200x32xf32, #tpu.memory_space<vmem>>
    %dma_start3A_32 = arith.constant 0 : i32
    %dma_start3A_33 = tpu.memref_slice %arg5[%dma_start3A_26, %dma_start3A_32] : memref<128x200xi32, #tpu.memory_space<vmem>> -> memref<1x200xi32, #tpu.memory_space<vmem>>
    %dma_start3A_34 = tpu.memref_squeeze %dma_start3A_33 : memref<1x200xi32, #tpu.memory_space<vmem>> -> memref<200xi32, #tpu.memory_space<vmem>>
    %dma_start3A_35 = arith.constant 0 : i32
    %dma_start3A_36 = arith.constant 0 : i32
    %dma_start3A_37 = tpu.memref_slice %arg3[%dma_start3A_35, %dma_start3A_36] : memref<1000003x32xf32, #tpu.memory_space<hbm>> -> memref<1000003x32xf32, #tpu.memory_space<hbm>>
    tpu.enqueue_indirect_dma source(%dma_start3A_37 : memref<1000003x32xf32, #tpu.memory_space<hbm>>) target(%dma_start3A_31 : memref<200x32xf32, #tpu.memory_space<vmem>>) offsets(%dma_start3A_34 : memref<200xi32, #tpu.memory_space<vmem>>) semaphore(%arg9 : memref<!tpu.dma_semaphore, #tpu.memory_space<semaphore_mem>>)
    %dma_start3A_38 = arith.constant 3 : i32
    %dma_start3A_39 = arith.constant 3 : i32
    %dma_start3A_40 = arith.constant 0 : i32
    %dma_start3A_41 = arith.constant 0 : i32
    %dma_start3A_42 = tpu.memref_slice %arg6[%dma_start3A_39, %dma_start3A_40, %dma_start3A_41] : memref<8x200x32xf32, #tpu.memory_space<vmem>> -> memref<1x200x32xf32, #tpu.memory_space<vmem>>
    %dma_start3A_43 = tpu.memref_squeeze %dma_start3A_42 : memref<1x200x32xf32, #tpu.memory_space<vmem>> -> memref<200x32xf32, #tpu.memory_space<vmem>>
    %dma_start3A_44 = arith.constant 0 : i32
    %dma_start3A_45 = tpu.memref_slice %arg5[%dma_start3A_38, %dma_start3A_44] : memref<128x200xi32, #tpu.memory_space<vmem>> -> memref<1x200xi32, #tpu.memory_space<vmem>>
    %dma_start3A_46 = tpu.memref_squeeze %dma_start3A_45 : memref<1x200xi32, #tpu.memory_space<vmem>> -> memref<200xi32, #tpu.memory_space<vmem>>
    %dma_start3A_47 = arith.constant 0 : i32
    %dma_start3A_48 = arith.constant 0 : i32
    %dma_start3A_49 = tpu.memref_slice %arg3[%dma_start3A_47, %dma_start3A_48] : memref<1000003x32xf32, #tpu.memory_space<hbm>> -> memref<1000003x32xf32, #tpu.memory_space<hbm>>
    tpu.enqueue_indirect_dma source(%dma_start3A_49 : memref<1000003x32xf32, #tpu.memory_space<hbm>>) target(%dma_start3A_43 : memref<200x32xf32, #tpu.memory_space<vmem>>) offsets(%dma_start3A_46 : memref<200xi32, #tpu.memory_space<vmem>>) semaphore(%arg10 : memref<!tpu.dma_semaphore, #tpu.memory_space<semaphore_mem>>)
    %dma_start3A_50 = arith.constant 4 : i32
    %dma_start3A_51 = arith.constant 4 : i32
    %dma_start3A_52 = arith.constant 0 : i32
    %dma_start3A_53 = arith.constant 0 : i32
    %dma_start3A_54 = tpu.memref_slice %arg6[%dma_start3A_51, %dma_start3A_52, %dma_start3A_53] : memref<8x200x32xf32, #tpu.memory_space<vmem>> -> memref<1x200x32xf32, #tpu.memory_space<vmem>>
    %dma_start3A_55 = tpu.memref_squeeze %dma_start3A_54 : memref<1x200x32xf32, #tpu.memory_space<vmem>> -> memref<200x32xf32, #tpu.memory_space<vmem>>
    %dma_start3A_56 = arith.constant 0 : i32
    %dma_start3A_57 = tpu.memref_slice %arg5[%dma_start3A_50, %dma_start3A_56] : memref<128x200xi32, #tpu.memory_space<vmem>> -> memref<1x200xi32, #tpu.memory_space<vmem>>
    %dma_start3A_58 = tpu.memref_squeeze %dma_start3A_57 : memref<1x200xi32, #tpu.memory_space<vmem>> -> memref<200xi32, #tpu.memory_space<vmem>>
    %dma_start3A_59 = arith.constant 0 : i32
    %dma_start3A_60 = arith.constant 0 : i32
    %dma_start3A_61 = tpu.memref_slice %arg3[%dma_start3A_59, %dma_start3A_60] : memref<1000003x32xf32, #tpu.memory_space<hbm>> -> memref<1000003x32xf32, #tpu.memory_space<hbm>>
    tpu.enqueue_indirect_dma source(%dma_start3A_61 : memref<1000003x32xf32, #tpu.memory_space<hbm>>) target(%dma_start3A_55 : memref<200x32xf32, #tpu.memory_space<vmem>>) offsets(%dma_start3A_58 : memref<200xi32, #tpu.memory_space<vmem>>) semaphore(%arg11 : memref<!tpu.dma_semaphore, #tpu.memory_space<semaphore_mem>>)
    %dma_start3A_62 = arith.constant 5 : i32
    %dma_start3A_63 = arith.constant 5 : i32
    %dma_start3A_64 = arith.constant 0 : i32
    %dma_start3A_65 = arith.constant 0 : i32
    %dma_start3A_66 = tpu.memref_slice %arg6[%dma_start3A_63, %dma_start3A_64, %dma_start3A_65] : memref<8x200x32xf32, #tpu.memory_space<vmem>> -> memref<1x200x32xf32, #tpu.memory_space<vmem>>
    %dma_start3A_67 = tpu.memref_squeeze %dma_start3A_66 : memref<1x200x32xf32, #tpu.memory_space<vmem>> -> memref<200x32xf32, #tpu.memory_space<vmem>>
    %dma_start3A_68 = arith.constant 0 : i32
    %dma_start3A_69 = tpu.memref_slice %arg5[%dma_start3A_62, %dma_start3A_68] : memref<128x200xi32, #tpu.memory_space<vmem>> -> memref<1x200xi32, #tpu.memory_space<vmem>>
    %dma_start3A_70 = tpu.memref_squeeze %dma_start3A_69 : memref<1x200xi32, #tpu.memory_space<vmem>> -> memref<200xi32, #tpu.memory_space<vmem>>
    %dma_start3A_71 = arith.constant 0 : i32
    %dma_start3A_72 = arith.constant 0 : i32
    %dma_start3A_73 = tpu.memref_slice %arg3[%dma_start3A_71, %dma_start3A_72] : memref<1000003x32xf32, #tpu.memory_space<hbm>> -> memref<1000003x32xf32, #tpu.memory_space<hbm>>
    tpu.enqueue_indirect_dma source(%dma_start3A_73 : memref<1000003x32xf32, #tpu.memory_space<hbm>>) target(%dma_start3A_67 : memref<200x32xf32, #tpu.memory_space<vmem>>) offsets(%dma_start3A_70 : memref<200xi32, #tpu.memory_space<vmem>>) semaphore(%arg12 : memref<!tpu.dma_semaphore, #tpu.memory_space<semaphore_mem>>)
    %dma_start3A_74 = arith.constant 6 : i32
    %dma_start3A_75 = arith.constant 6 : i32
    %dma_start3A_76 = arith.constant 0 : i32
    %dma_start3A_77 = arith.constant 0 : i32
    %dma_start3A_78 = tpu.memref_slice %arg6[%dma_start3A_75, %dma_start3A_76, %dma_start3A_77] : memref<8x200x32xf32, #tpu.memory_space<vmem>> -> memref<1x200x32xf32, #tpu.memory_space<vmem>>
    %dma_start3A_79 = tpu.memref_squeeze %dma_start3A_78 : memref<1x200x32xf32, #tpu.memory_space<vmem>> -> memref<200x32xf32, #tpu.memory_space<vmem>>
    %dma_start3A_80 = arith.constant 0 : i32
    %dma_start3A_81 = tpu.memref_slice %arg5[%dma_start3A_74, %dma_start3A_80] : memref<128x200xi32, #tpu.memory_space<vmem>> -> memref<1x200xi32, #tpu.memory_space<vmem>>
    %dma_start3A_82 = tpu.memref_squeeze %dma_start3A_81 : memref<1x200xi32, #tpu.memory_space<vmem>> -> memref<200xi32, #tpu.memory_space<vmem>>
    %dma_start3A_83 = arith.constant 0 : i32
    %dma_start3A_84 = arith.constant 0 : i32
    %dma_start3A_85 = tpu.memref_slice %arg3[%dma_start3A_83, %dma_start3A_84] : memref<1000003x32xf32, #tpu.memory_space<hbm>> -> memref<1000003x32xf32, #tpu.memory_space<hbm>>
    tpu.enqueue_indirect_dma source(%dma_start3A_85 : memref<1000003x32xf32, #tpu.memory_space<hbm>>) target(%dma_start3A_79 : memref<200x32xf32, #tpu.memory_space<vmem>>) offsets(%dma_start3A_82 : memref<200xi32, #tpu.memory_space<vmem>>) semaphore(%arg13 : memref<!tpu.dma_semaphore, #tpu.memory_space<semaphore_mem>>)
    %dma_start3A_86 = arith.constant 7 : i32
    %dma_start3A_87 = arith.constant 7 : i32
    %dma_start3A_88 = arith.constant 0 : i32
    %dma_start3A_89 = arith.constant 0 : i32
    %dma_start3A_90 = tpu.memref_slice %arg6[%dma_start3A_87, %dma_start3A_88, %dma_start3A_89] : memref<8x200x32xf32, #tpu.memory_space<vmem>> -> memref<1x200x32xf32, #tpu.memory_space<vmem>>
    %dma_start3A_91 = tpu.memref_squeeze %dma_start3A_90 : memref<1x200x32xf32, #tpu.memory_space<vmem>> -> memref<200x32xf32, #tpu.memory_space<vmem>>
    %dma_start3A_92 = arith.constant 0 : i32
    %dma_start3A_93 = tpu.memref_slice %arg5[%dma_start3A_86, %dma_start3A_92] : memref<128x200xi32, #tpu.memory_space<vmem>> -> memref<1x200xi32, #tpu.memory_space<vmem>>
    %dma_start3A_94 = tpu.memref_squeeze %dma_start3A_93 : memref<1x200xi32, #tpu.memory_space<vmem>> -> memref<200xi32, #tpu.memory_space<vmem>>
    %dma_start3A_95 = arith.constant 0 : i32
    %dma_start3A_96 = arith.constant 0 : i32
    %dma_start3A_97 = tpu.memref_slice %arg3[%dma_start3A_95, %dma_start3A_96] : memref<1000003x32xf32, #tpu.memory_space<hbm>> -> memref<1000003x32xf32, #tpu.memory_space<hbm>>
    tpu.enqueue_indirect_dma source(%dma_start3A_97 : memref<1000003x32xf32, #tpu.memory_space<hbm>>) target(%dma_start3A_91 : memref<200x32xf32, #tpu.memory_space<vmem>>) offsets(%dma_start3A_94 : memref<200xi32, #tpu.memory_space<vmem>>) semaphore(%arg14 : memref<!tpu.dma_semaphore, #tpu.memory_space<semaphore_mem>>)
    %scan3A = arith.constant 0 : i32
    %scan3A_98 = arith.constant 15 : i32
    %scan3A_99 = arith.addi %scan3A, %scan3A_98 : i32
    %scan3A_100 = arith.constant 1 : i32
    scf.for %scan3A_541 = %scan3A to %scan3A_99 step %scan3A_100  : i32 {
      %mul3A_542 = arith.constant 1 : i32
      %mul3A_543 = arith.muli %scan3A_541, %mul3A_542 : i32
      %add3A_544 = arith.constant 0 : i32
      %add3A_545 = arith.addi %add3A_544, %mul3A_543 : i32
      %mul3A_546 = arith.constant 8 : i32
      %mul3A_547 = arith.muli %add3A_545, %mul3A_546 : i32
      %dma_wait3A_548 = arith.constant 0 : i32
      %dma_wait3A_549 = arith.constant 0 : i32
      %dma_wait3A_550 = arith.constant 0 : i32
      %dma_wait3A_551 = arith.constant 0 : i32
      %dma_wait3A_552 = tpu.memref_slice %arg6[%dma_wait3A_549, %dma_wait3A_550, %dma_wait3A_551] : memref<8x200x32xf32, #tpu.memory_space<vmem>> -> memref<1x200x32xf32, #tpu.memory_space<vmem>>
      %dma_wait3A_553 = tpu.memref_squeeze %dma_wait3A_552 : memref<1x200x32xf32, #tpu.memory_space<vmem>> -> memref<200x32xf32, #tpu.memory_space<vmem>>
      %dma_wait3A_554 = arith.constant 0 : i32
      %dma_wait3A_555 = arith.constant 0 : i32
      %dma_wait3A_556 = tpu.memref_slice %arg4[%dma_wait3A_548, %dma_wait3A_554, %dma_wait3A_555] : memref<4096x200x32xf32, #tpu.memory_space<hbm>> -> memref<1x200x32xf32, #tpu.memory_space<hbm>>
      %dma_wait3A_557 = tpu.memref_squeeze %dma_wait3A_556 : memref<1x200x32xf32, #tpu.memory_space<hbm>> -> memref<200x32xf32, #tpu.memory_space<hbm>>
      %dma_wait3A_558 = arith.constant 0 : i32
      %dma_wait3A_559 = arith.constant 0 : i32
      %dma_wait3A_560 = tpu.memref_slice %arg6[%dma_wait3A_549, %dma_wait3A_558, %dma_wait3A_559] : memref<8x200x32xf32, #tpu.memory_space<vmem>> -> memref<1x200x32xf32, #tpu.memory_space<vmem>>
      %dma_wait3A_561 = tpu.memref_squeeze %dma_wait3A_560 : memref<1x200x32xf32, #tpu.memory_space<vmem>> -> memref<200x32xf32, #tpu.memory_space<vmem>>
      %dma_wait3A_562 = arith.constant 0 : i32
      %dma_wait3A_563 = arith.constant 0 : i32
      %dma_wait3A_564 = tpu.memref_slice %arg4[%dma_wait3A_548, %dma_wait3A_562, %dma_wait3A_563] : memref<4096x200x32xf32, #tpu.memory_space<hbm>> -> memref<1x200x32xf32, #tpu.memory_space<hbm>>
      %dma_wait3A_565 = tpu.memref_squeeze %dma_wait3A_564 : memref<1x200x32xf32, #tpu.memory_space<hbm>> -> memref<200x32xf32, #tpu.memory_space<hbm>>
      tpu.wait_dma2 semaphore(%arg7 : memref<!tpu.dma_semaphore, #tpu.memory_space<semaphore_mem>>) src(%dma_wait3A_565 : memref<200x32xf32, #tpu.memory_space<hbm>>) dst(%dma_wait3A_561 : memref<200x32xf32, #tpu.memory_space<vmem>>)
      %add3A_566 = arith.constant 0 : i32
      %add3A_567 = arith.addi %mul3A_547, %add3A_566 : i32
      %add3A_568 = arith.addi %mul3A_2, %add3A_567 : i32
      %dma_start3A_569 = arith.constant 0 : i32
      %dma_start3A_570 = arith.constant 0 : i32
      %dma_start3A_571 = arith.constant 0 : i32
      %dma_start3A_572 = tpu.memref_slice %arg6[%dma_start3A_569, %dma_start3A_570, %dma_start3A_571] : memref<8x200x32xf32, #tpu.memory_space<vmem>> -> memref<1x200x32xf32, #tpu.memory_space<vmem>>
      %dma_start3A_573 = tpu.memref_squeeze %dma_start3A_572 : memref<1x200x32xf32, #tpu.memory_space<vmem>> -> memref<200x32xf32, #tpu.memory_space<vmem>>
      %dma_start3A_574 = arith.constant 0 : i32
      %dma_start3A_575 = arith.constant 0 : i32
      %dma_start3A_576 = tpu.memref_slice %arg4[%add3A_568, %dma_start3A_574, %dma_start3A_575] : memref<4096x200x32xf32, #tpu.memory_space<hbm>> -> memref<1x200x32xf32, #tpu.memory_space<hbm>>
      %dma_start3A_577 = tpu.memref_squeeze %dma_start3A_576 : memref<1x200x32xf32, #tpu.memory_space<hbm>> -> memref<200x32xf32, #tpu.memory_space<hbm>>
      %dma_start3A_578 = arith.constant 0 : i32
      %dma_start3A_579 = arith.constant 0 : i32
      %dma_start3A_580 = tpu.memref_slice %arg4[%add3A_568, %dma_start3A_578, %dma_start3A_579] : memref<4096x200x32xf32, #tpu.memory_space<hbm>> -> memref<1x200x32xf32, #tpu.memory_space<hbm>>
      %dma_start3A_581 = tpu.memref_squeeze %dma_start3A_580 : memref<1x200x32xf32, #tpu.memory_space<hbm>> -> memref<200x32xf32, #tpu.memory_space<hbm>>
      %dma_start3A_582 = arith.constant 0 : i32
      %dma_start3A_583 = arith.constant 0 : i32
      %dma_start3A_584 = tpu.memref_slice %arg6[%dma_start3A_569, %dma_start3A_582, %dma_start3A_583] : memref<8x200x32xf32, #tpu.memory_space<vmem>> -> memref<1x200x32xf32, #tpu.memory_space<vmem>>
      %dma_start3A_585 = tpu.memref_squeeze %dma_start3A_584 : memref<1x200x32xf32, #tpu.memory_space<vmem>> -> memref<200x32xf32, #tpu.memory_space<vmem>>
      tpu.enqueue_dma source(%dma_start3A_585 : memref<200x32xf32, #tpu.memory_space<vmem>>) target(%dma_start3A_581 : memref<200x32xf32, #tpu.memory_space<hbm>>) target_semaphore(%arg15 : memref<!tpu.dma_semaphore, #tpu.memory_space<semaphore_mem>>)
      %dma_wait3A_586 = arith.constant 0 : i32
      %dma_wait3A_587 = arith.constant 0 : i32
      %dma_wait3A_588 = arith.constant 0 : i32
      %dma_wait3A_589 = arith.constant 0 : i32
      %dma_wait3A_590 = tpu.memref_slice %arg6[%dma_wait3A_586, %dma_wait3A_588, %dma_wait3A_589] : memref<8x200x32xf32, #tpu.memory_space<vmem>> -> memref<1x200x32xf32, #tpu.memory_space<vmem>>
      %dma_wait3A_591 = tpu.memref_squeeze %dma_wait3A_590 : memref<1x200x32xf32, #tpu.memory_space<vmem>> -> memref<200x32xf32, #tpu.memory_space<vmem>>
      %dma_wait3A_592 = arith.constant 0 : i32
      %dma_wait3A_593 = arith.constant 0 : i32
      %dma_wait3A_594 = tpu.memref_slice %arg4[%dma_wait3A_587, %dma_wait3A_592, %dma_wait3A_593] : memref<4096x200x32xf32, #tpu.memory_space<hbm>> -> memref<1x200x32xf32, #tpu.memory_space<hbm>>
      %dma_wait3A_595 = tpu.memref_squeeze %dma_wait3A_594 : memref<1x200x32xf32, #tpu.memory_space<hbm>> -> memref<200x32xf32, #tpu.memory_space<hbm>>
      %dma_wait3A_596 = arith.constant 0 : i32
      %dma_wait3A_597 = arith.constant 0 : i32
      %dma_wait3A_598 = tpu.memref_slice %arg4[%dma_wait3A_587, %dma_wait3A_596, %dma_wait3A_597] : memref<4096x200x32xf32, #tpu.memory_space<hbm>> -> memref<1x200x32xf32, #tpu.memory_space<hbm>>
      %dma_wait3A_599 = tpu.memref_squeeze %dma_wait3A_598 : memref<1x200x32xf32, #tpu.memory_space<hbm>> -> memref<200x32xf32, #tpu.memory_space<hbm>>
      %dma_wait3A_600 = arith.constant 0 : i32
      %dma_wait3A_601 = arith.constant 0 : i32
      %dma_wait3A_602 = tpu.memref_slice %arg6[%dma_wait3A_586, %dma_wait3A_600, %dma_wait3A_601] : memref<8x200x32xf32, #tpu.memory_space<vmem>> -> memref<1x200x32xf32, #tpu.memory_space<vmem>>
      %dma_wait3A_603 = tpu.memref_squeeze %dma_wait3A_602 : memref<1x200x32xf32, #tpu.memory_space<vmem>> -> memref<200x32xf32, #tpu.memory_space<vmem>>
      tpu.wait_dma2 semaphore(%arg15 : memref<!tpu.dma_semaphore, #tpu.memory_space<semaphore_mem>>) src(%dma_wait3A_603 : memref<200x32xf32, #tpu.memory_space<vmem>>) dst(%dma_wait3A_599 : memref<200x32xf32, #tpu.memory_space<hbm>>)
      %add3A_604 = arith.constant 8 : i32
      %add3A_605 = arith.addi %mul3A_547, %add3A_604 : i32
      %add3A_606 = arith.constant 0 : i32
      %add3A_607 = arith.addi %add3A_605, %add3A_606 : i32
      %dma_start3A_608 = arith.constant 0 : i32
      %dma_start3A_609 = arith.constant 0 : i32
      %dma_start3A_610 = arith.constant 0 : i32
      %dma_start3A_611 = tpu.memref_slice %arg6[%dma_start3A_608, %dma_start3A_609, %dma_start3A_610] : memref<8x200x32xf32, #tpu.memory_space<vmem>> -> memref<1x200x32xf32, #tpu.memory_space<vmem>>
      %dma_start3A_612 = tpu.memref_squeeze %dma_start3A_611 : memref<1x200x32xf32, #tpu.memory_space<vmem>> -> memref<200x32xf32, #tpu.memory_space<vmem>>
      %dma_start3A_613 = arith.constant 0 : i32
      %dma_start3A_614 = tpu.memref_slice %arg5[%add3A_607, %dma_start3A_613] : memref<128x200xi32, #tpu.memory_space<vmem>> -> memref<1x200xi32, #tpu.memory_space<vmem>>
      %dma_start3A_615 = tpu.memref_squeeze %dma_start3A_614 : memref<1x200xi32, #tpu.memory_space<vmem>> -> memref<200xi32, #tpu.memory_space<vmem>>
      %dma_start3A_616 = arith.constant 0 : i32
      %dma_start3A_617 = arith.constant 0 : i32
      %dma_start3A_618 = tpu.memref_slice %arg3[%dma_start3A_616, %dma_start3A_617] : memref<1000003x32xf32, #tpu.memory_space<hbm>> -> memref<1000003x32xf32, #tpu.memory_space<hbm>>
      tpu.enqueue_indirect_dma source(%dma_start3A_618 : memref<1000003x32xf32, #tpu.memory_space<hbm>>) target(%dma_start3A_612 : memref<200x32xf32, #tpu.memory_space<vmem>>) offsets(%dma_start3A_615 : memref<200xi32, #tpu.memory_space<vmem>>) semaphore(%arg7 : memref<!tpu.dma_semaphore, #tpu.memory_space<semaphore_mem>>)
      %dma_wait3A_619 = arith.constant 0 : i32
      %dma_wait3A_620 = arith.constant 1 : i32
      %dma_wait3A_621 = arith.constant 0 : i32
      %dma_wait3A_622 = arith.constant 0 : i32
      %dma_wait3A_623 = tpu.memref_slice %arg6[%dma_wait3A_620, %dma_wait3A_621, %dma_wait3A_622] : memref<8x200x32xf32, #tpu.memory_space<vmem>> -> memref<1x200x32xf32, #tpu.memory_space<vmem>>
      %dma_wait3A_624 = tpu.memref_squeeze %dma_wait3A_623 : memref<1x200x32xf32, #tpu.memory_space<vmem>> -> memref<200x32xf32, #tpu.memory_space<vmem>>
      %dma_wait3A_625 = arith.constant 0 : i32
      %dma_wait3A_626 = arith.constant 0 : i32
      %dma_wait3A_627 = tpu.memref_slice %arg4[%dma_wait3A_619, %dma_wait3A_625, %dma_wait3A_626] : memref<4096x200x32xf32, #tpu.memory_space<hbm>> -> memref<1x200x32xf32, #tpu.memory_space<hbm>>
      %dma_wait3A_628 = tpu.memref_squeeze %dma_wait3A_627 : memref<1x200x32xf32, #tpu.memory_space<hbm>> -> memref<200x32xf32, #tpu.memory_space<hbm>>
      %dma_wait3A_629 = arith.constant 0 : i32
      %dma_wait3A_630 = arith.constant 0 : i32
      %dma_wait3A_631 = tpu.memref_slice %arg6[%dma_wait3A_620, %dma_wait3A_629, %dma_wait3A_630] : memref<8x200x32xf32, #tpu.memory_space<vmem>> -> memref<1x200x32xf32, #tpu.memory_space<vmem>>
      %dma_wait3A_632 = tpu.memref_squeeze %dma_wait3A_631 : memref<1x200x32xf32, #tpu.memory_space<vmem>> -> memref<200x32xf32, #tpu.memory_space<vmem>>
      %dma_wait3A_633 = arith.constant 0 : i32
      %dma_wait3A_634 = arith.constant 0 : i32
      %dma_wait3A_635 = tpu.memref_slice %arg4[%dma_wait3A_619, %dma_wait3A_633, %dma_wait3A_634] : memref<4096x200x32xf32, #tpu.memory_space<hbm>> -> memref<1x200x32xf32, #tpu.memory_space<hbm>>
      %dma_wait3A_636 = tpu.memref_squeeze %dma_wait3A_635 : memref<1x200x32xf32, #tpu.memory_space<hbm>> -> memref<200x32xf32, #tpu.memory_space<hbm>>
      tpu.wait_dma2 semaphore(%arg8 : memref<!tpu.dma_semaphore, #tpu.memory_space<semaphore_mem>>) src(%dma_wait3A_636 : memref<200x32xf32, #tpu.memory_space<hbm>>) dst(%dma_wait3A_632 : memref<200x32xf32, #tpu.memory_space<vmem>>)
      %add3A_637 = arith.constant 1 : i32
      %add3A_638 = arith.addi %mul3A_547, %add3A_637 : i32
      %add3A_639 = arith.addi %mul3A_2, %add3A_638 : i32
      %dma_start3A_640 = arith.constant 1 : i32
      %dma_start3A_641 = arith.constant 0 : i32
      %dma_start3A_642 = arith.constant 0 : i32
      %dma_start3A_643 = tpu.memref_slice %arg6[%dma_start3A_640, %dma_start3A_641, %dma_start3A_642] : memref<8x200x32xf32, #tpu.memory_space<vmem>> -> memref<1x200x32xf32, #tpu.memory_space<vmem>>
      %dma_start3A_644 = tpu.memref_squeeze %dma_start3A_643 : memref<1x200x32xf32, #tpu.memory_space<vmem>> -> memref<200x32xf32, #tpu.memory_space<vmem>>
      %dma_start3A_645 = arith.constant 0 : i32
      %dma_start3A_646 = arith.constant 0 : i32
      %dma_start3A_647 = tpu.memref_slice %arg4[%add3A_639, %dma_start3A_645, %dma_start3A_646] : memref<4096x200x32xf32, #tpu.memory_space<hbm>> -> memref<1x200x32xf32, #tpu.memory_space<hbm>>
      %dma_start3A_648 = tpu.memref_squeeze %dma_start3A_647 : memref<1x200x32xf32, #tpu.memory_space<hbm>> -> memref<200x32xf32, #tpu.memory_space<hbm>>
      %dma_start3A_649 = arith.constant 0 : i32
      %dma_start3A_650 = arith.constant 0 : i32
      %dma_start3A_651 = tpu.memref_slice %arg4[%add3A_639, %dma_start3A_649, %dma_start3A_650] : memref<4096x200x32xf32, #tpu.memory_space<hbm>> -> memref<1x200x32xf32, #tpu.memory_space<hbm>>
      %dma_start3A_652 = tpu.memref_squeeze %dma_start3A_651 : memref<1x200x32xf32, #tpu.memory_space<hbm>> -> memref<200x32xf32, #tpu.memory_space<hbm>>
      %dma_start3A_653 = arith.constant 0 : i32
      %dma_start3A_654 = arith.constant 0 : i32
      %dma_start3A_655 = tpu.memref_slice %arg6[%dma_start3A_640, %dma_start3A_653, %dma_start3A_654] : memref<8x200x32xf32, #tpu.memory_space<vmem>> -> memref<1x200x32xf32, #tpu.memory_space<vmem>>
      %dma_start3A_656 = tpu.memref_squeeze %dma_start3A_655 : memref<1x200x32xf32, #tpu.memory_space<vmem>> -> memref<200x32xf32, #tpu.memory_space<vmem>>
      tpu.enqueue_dma source(%dma_start3A_656 : memref<200x32xf32, #tpu.memory_space<vmem>>) target(%dma_start3A_652 : memref<200x32xf32, #tpu.memory_space<hbm>>) target_semaphore(%arg16 : memref<!tpu.dma_semaphore, #tpu.memory_space<semaphore_mem>>)
      %dma_wait3A_657 = arith.constant 1 : i32
      %dma_wait3A_658 = arith.constant 0 : i32
      %dma_wait3A_659 = arith.constant 0 : i32
      %dma_wait3A_660 = arith.constant 0 : i32
      %dma_wait3A_661 = tpu.memref_slice %arg6[%dma_wait3A_657, %dma_wait3A_659, %dma_wait3A_660] : memref<8x200x32xf32, #tpu.memory_space<vmem>> -> memref<1x200x32xf32, #tpu.memory_space<vmem>>
      %dma_wait3A_662 = tpu.memref_squeeze %dma_wait3A_661 : memref<1x200x32xf32, #tpu.memory_space<vmem>> -> memref<200x32xf32, #tpu.memory_space<vmem>>
      %dma_wait3A_663 = arith.constant 0 : i32
      %dma_wait3A_664 = arith.constant 0 : i32
      %dma_wait3A_665 = tpu.memref_slice %arg4[%dma_wait3A_658, %dma_wait3A_663, %dma_wait3A_664] : memref<4096x200x32xf32, #tpu.memory_space<hbm>> -> memref<1x200x32xf32, #tpu.memory_space<hbm>>
      %dma_wait3A_666 = tpu.memref_squeeze %dma_wait3A_665 : memref<1x200x32xf32, #tpu.memory_space<hbm>> -> memref<200x32xf32, #tpu.memory_space<hbm>>
      %dma_wait3A_667 = arith.constant 0 : i32
      %dma_wait3A_668 = arith.constant 0 : i32
      %dma_wait3A_669 = tpu.memref_slice %arg4[%dma_wait3A_658, %dma_wait3A_667, %dma_wait3A_668] : memref<4096x200x32xf32, #tpu.memory_space<hbm>> -> memref<1x200x32xf32, #tpu.memory_space<hbm>>
      %dma_wait3A_670 = tpu.memref_squeeze %dma_wait3A_669 : memref<1x200x32xf32, #tpu.memory_space<hbm>> -> memref<200x32xf32, #tpu.memory_space<hbm>>
      %dma_wait3A_671 = arith.constant 0 : i32
      %dma_wait3A_672 = arith.constant 0 : i32
      %dma_wait3A_673 = tpu.memref_slice %arg6[%dma_wait3A_657, %dma_wait3A_671, %dma_wait3A_672] : memref<8x200x32xf32, #tpu.memory_space<vmem>> -> memref<1x200x32xf32, #tpu.memory_space<vmem>>
      %dma_wait3A_674 = tpu.memref_squeeze %dma_wait3A_673 : memref<1x200x32xf32, #tpu.memory_space<vmem>> -> memref<200x32xf32, #tpu.memory_space<vmem>>
      tpu.wait_dma2 semaphore(%arg16 : memref<!tpu.dma_semaphore, #tpu.memory_space<semaphore_mem>>) src(%dma_wait3A_674 : memref<200x32xf32, #tpu.memory_space<vmem>>) dst(%dma_wait3A_670 : memref<200x32xf32, #tpu.memory_space<hbm>>)
      %add3A_675 = arith.constant 8 : i32
      %add3A_676 = arith.addi %mul3A_547, %add3A_675 : i32
      %add3A_677 = arith.constant 1 : i32
      %add3A_678 = arith.addi %add3A_676, %add3A_677 : i32
      %dma_start3A_679 = arith.constant 1 : i32
      %dma_start3A_680 = arith.constant 0 : i32
      %dma_start3A_681 = arith.constant 0 : i32
      %dma_start3A_682 = tpu.memref_slice %arg6[%dma_start3A_679, %dma_start3A_680, %dma_start3A_681] : memref<8x200x32xf32, #tpu.memory_space<vmem>> -> memref<1x200x32xf32, #tpu.memory_space<vmem>>
      %dma_start3A_683 = tpu.memref_squeeze %dma_start3A_682 : memref<1x200x32xf32, #tpu.memory_space<vmem>> -> memref<200x32xf32, #tpu.memory_space<vmem>>
      %dma_start3A_684 = arith.constant 0 : i32
      %dma_start3A_685 = tpu.memref_slice %arg5[%add3A_678, %dma_start3A_684] : memref<128x200xi32, #tpu.memory_space<vmem>> -> memref<1x200xi32, #tpu.memory_space<vmem>>
      %dma_start3A_686 = tpu.memref_squeeze %dma_start3A_685 : memref<1x200xi32, #tpu.memory_space<vmem>> -> memref<200xi32, #tpu.memory_space<vmem>>
      %dma_start3A_687 = arith.constant 0 : i32
      %dma_start3A_688 = arith.constant 0 : i32
      %dma_start3A_689 = tpu.memref_slice %arg3[%dma_start3A_687, %dma_start3A_688] : memref<1000003x32xf32, #tpu.memory_space<hbm>> -> memref<1000003x32xf32, #tpu.memory_space<hbm>>
      tpu.enqueue_indirect_dma source(%dma_start3A_689 : memref<1000003x32xf32, #tpu.memory_space<hbm>>) target(%dma_start3A_683 : memref<200x32xf32, #tpu.memory_space<vmem>>) offsets(%dma_start3A_686 : memref<200xi32, #tpu.memory_space<vmem>>) semaphore(%arg8 : memref<!tpu.dma_semaphore, #tpu.memory_space<semaphore_mem>>)
      %dma_wait3A_690 = arith.constant 0 : i32
      %dma_wait3A_691 = arith.constant 2 : i32
      %dma_wait3A_692 = arith.constant 0 : i32
      %dma_wait3A_693 = arith.constant 0 : i32
      %dma_wait3A_694 = tpu.memref_slice %arg6[%dma_wait3A_691, %dma_wait3A_692, %dma_wait3A_693] : memref<8x200x32xf32, #tpu.memory_space<vmem>> -> memref<1x200x32xf32, #tpu.memory_space<vmem>>
      %dma_wait3A_695 = tpu.memref_squeeze %dma_wait3A_694 : memref<1x200x32xf32, #tpu.memory_space<vmem>> -> memref<200x32xf32, #tpu.memory_space<vmem>>
      %dma_wait3A_696 = arith.constant 0 : i32
      %dma_wait3A_697 = arith.constant 0 : i32
      %dma_wait3A_698 = tpu.memref_slice %arg4[%dma_wait3A_690, %dma_wait3A_696, %dma_wait3A_697] : memref<4096x200x32xf32, #tpu.memory_space<hbm>> -> memref<1x200x32xf32, #tpu.memory_space<hbm>>
      %dma_wait3A_699 = tpu.memref_squeeze %dma_wait3A_698 : memref<1x200x32xf32, #tpu.memory_space<hbm>> -> memref<200x32xf32, #tpu.memory_space<hbm>>
      %dma_wait3A_700 = arith.constant 0 : i32
      %dma_wait3A_701 = arith.constant 0 : i32
      %dma_wait3A_702 = tpu.memref_slice %arg6[%dma_wait3A_691, %dma_wait3A_700, %dma_wait3A_701] : memref<8x200x32xf32, #tpu.memory_space<vmem>> -> memref<1x200x32xf32, #tpu.memory_space<vmem>>
      %dma_wait3A_703 = tpu.memref_squeeze %dma_wait3A_702 : memref<1x200x32xf32, #tpu.memory_space<vmem>> -> memref<200x32xf32, #tpu.memory_space<vmem>>
      %dma_wait3A_704 = arith.constant 0 : i32
      %dma_wait3A_705 = arith.constant 0 : i32
      %dma_wait3A_706 = tpu.memref_slice %arg4[%dma_wait3A_690, %dma_wait3A_704, %dma_wait3A_705] : memref<4096x200x32xf32, #tpu.memory_space<hbm>> -> memref<1x200x32xf32, #tpu.memory_space<hbm>>
      %dma_wait3A_707 = tpu.memref_squeeze %dma_wait3A_706 : memref<1x200x32xf32, #tpu.memory_space<hbm>> -> memref<200x32xf32, #tpu.memory_space<hbm>>
      tpu.wait_dma2 semaphore(%arg9 : memref<!tpu.dma_semaphore, #tpu.memory_space<semaphore_mem>>) src(%dma_wait3A_707 : memref<200x32xf32, #tpu.memory_space<hbm>>) dst(%dma_wait3A_703 : memref<200x32xf32, #tpu.memory_space<vmem>>)
      %add3A_708 = arith.constant 2 : i32
      %add3A_709 = arith.addi %mul3A_547, %add3A_708 : i32
      %add3A_710 = arith.addi %mul3A_2, %add3A_709 : i32
      %dma_start3A_711 = arith.constant 2 : i32
      %dma_start3A_712 = arith.constant 0 : i32
      %dma_start3A_713 = arith.constant 0 : i32
      %dma_start3A_714 = tpu.memref_slice %arg6[%dma_start3A_711, %dma_start3A_712, %dma_start3A_713] : memref<8x200x32xf32, #tpu.memory_space<vmem>> -> memref<1x200x32xf32, #tpu.memory_space<vmem>>
      %dma_start3A_715 = tpu.memref_squeeze %dma_start3A_714 : memref<1x200x32xf32, #tpu.memory_space<vmem>> -> memref<200x32xf32, #tpu.memory_space<vmem>>
      %dma_start3A_716 = arith.constant 0 : i32
      %dma_start3A_717 = arith.constant 0 : i32
      %dma_start3A_718 = tpu.memref_slice %arg4[%add3A_710, %dma_start3A_716, %dma_start3A_717] : memref<4096x200x32xf32, #tpu.memory_space<hbm>> -> memref<1x200x32xf32, #tpu.memory_space<hbm>>
      %dma_start3A_719 = tpu.memref_squeeze %dma_start3A_718 : memref<1x200x32xf32, #tpu.memory_space<hbm>> -> memref<200x32xf32, #tpu.memory_space<hbm>>
      %dma_start3A_720 = arith.constant 0 : i32
      %dma_start3A_721 = arith.constant 0 : i32
      %dma_start3A_722 = tpu.memref_slice %arg4[%add3A_710, %dma_start3A_720, %dma_start3A_721] : memref<4096x200x32xf32, #tpu.memory_space<hbm>> -> memref<1x200x32xf32, #tpu.memory_space<hbm>>
      %dma_start3A_723 = tpu.memref_squeeze %dma_start3A_722 : memref<1x200x32xf32, #tpu.memory_space<hbm>> -> memref<200x32xf32, #tpu.memory_space<hbm>>
      %dma_start3A_724 = arith.constant 0 : i32
      %dma_start3A_725 = arith.constant 0 : i32
      %dma_start3A_726 = tpu.memref_slice %arg6[%dma_start3A_711, %dma_start3A_724, %dma_start3A_725] : memref<8x200x32xf32, #tpu.memory_space<vmem>> -> memref<1x200x32xf32, #tpu.memory_space<vmem>>
      %dma_start3A_727 = tpu.memref_squeeze %dma_start3A_726 : memref<1x200x32xf32, #tpu.memory_space<vmem>> -> memref<200x32xf32, #tpu.memory_space<vmem>>
      tpu.enqueue_dma source(%dma_start3A_727 : memref<200x32xf32, #tpu.memory_space<vmem>>) target(%dma_start3A_723 : memref<200x32xf32, #tpu.memory_space<hbm>>) target_semaphore(%arg17 : memref<!tpu.dma_semaphore, #tpu.memory_space<semaphore_mem>>)
      %dma_wait3A_728 = arith.constant 2 : i32
      %dma_wait3A_729 = arith.constant 0 : i32
      %dma_wait3A_730 = arith.constant 0 : i32
      %dma_wait3A_731 = arith.constant 0 : i32
      %dma_wait3A_732 = tpu.memref_slice %arg6[%dma_wait3A_728, %dma_wait3A_730, %dma_wait3A_731] : memref<8x200x32xf32, #tpu.memory_space<vmem>> -> memref<1x200x32xf32, #tpu.memory_space<vmem>>
      %dma_wait3A_733 = tpu.memref_squeeze %dma_wait3A_732 : memref<1x200x32xf32, #tpu.memory_space<vmem>> -> memref<200x32xf32, #tpu.memory_space<vmem>>
      %dma_wait3A_734 = arith.constant 0 : i32
      %dma_wait3A_735 = arith.constant 0 : i32
      %dma_wait3A_736 = tpu.memref_slice %arg4[%dma_wait3A_729, %dma_wait3A_734, %dma_wait3A_735] : memref<4096x200x32xf32, #tpu.memory_space<hbm>> -> memref<1x200x32xf32, #tpu.memory_space<hbm>>
      %dma_wait3A_737 = tpu.memref_squeeze %dma_wait3A_736 : memref<1x200x32xf32, #tpu.memory_space<hbm>> -> memref<200x32xf32, #tpu.memory_space<hbm>>
      %dma_wait3A_738 = arith.constant 0 : i32
      %dma_wait3A_739 = arith.constant 0 : i32
      %dma_wait3A_740 = tpu.memref_slice %arg4[%dma_wait3A_729, %dma_wait3A_738, %dma_wait3A_739] : memref<4096x200x32xf32, #tpu.memory_space<hbm>> -> memref<1x200x32xf32, #tpu.memory_space<hbm>>
      %dma_wait3A_741 = tpu.memref_squeeze %dma_wait3A_740 : memref<1x200x32xf32, #tpu.memory_space<hbm>> -> memref<200x32xf32, #tpu.memory_space<hbm>>
      %dma_wait3A_742 = arith.constant 0 : i32
      %dma_wait3A_743 = arith.constant 0 : i32
      %dma_wait3A_744 = tpu.memref_slice %arg6[%dma_wait3A_728, %dma_wait3A_742, %dma_wait3A_743] : memref<8x200x32xf32, #tpu.memory_space<vmem>> -> memref<1x200x32xf32, #tpu.memory_space<vmem>>
      %dma_wait3A_745 = tpu.memref_squeeze %dma_wait3A_744 : memref<1x200x32xf32, #tpu.memory_space<vmem>> -> memref<200x32xf32, #tpu.memory_space<vmem>>
      tpu.wait_dma2 semaphore(%arg17 : memref<!tpu.dma_semaphore, #tpu.memory_space<semaphore_mem>>) src(%dma_wait3A_745 : memref<200x32xf32, #tpu.memory_space<vmem>>) dst(%dma_wait3A_741 : memref<200x32xf32, #tpu.memory_space<hbm>>)
      %add3A_746 = arith.constant 8 : i32
      %add3A_747 = arith.addi %mul3A_547, %add3A_746 : i32
      %add3A_748 = arith.constant 2 : i32
      %add3A_749 = arith.addi %add3A_747, %add3A_748 : i32
      %dma_start3A_750 = arith.constant 2 : i32
      %dma_start3A_751 = arith.constant 0 : i32
      %dma_start3A_752 = arith.constant 0 : i32
      %dma_start3A_753 = tpu.memref_slice %arg6[%dma_start3A_750, %dma_start3A_751, %dma_start3A_752] : memref<8x200x32xf32, #tpu.memory_space<vmem>> -> memref<1x200x32xf32, #tpu.memory_space<vmem>>
      %dma_start3A_754 = tpu.memref_squeeze %dma_start3A_753 : memref<1x200x32xf32, #tpu.memory_space<vmem>> -> memref<200x32xf32, #tpu.memory_space<vmem>>
      %dma_start3A_755 = arith.constant 0 : i32
      %dma_start3A_756 = tpu.memref_slice %arg5[%add3A_749, %dma_start3A_755] : memref<128x200xi32, #tpu.memory_space<vmem>> -> memref<1x200xi32, #tpu.memory_space<vmem>>
      %dma_start3A_757 = tpu.memref_squeeze %dma_start3A_756 : memref<1x200xi32, #tpu.memory_space<vmem>> -> memref<200xi32, #tpu.memory_space<vmem>>
      %dma_start3A_758 = arith.constant 0 : i32
      %dma_start3A_759 = arith.constant 0 : i32
      %dma_start3A_760 = tpu.memref_slice %arg3[%dma_start3A_758, %dma_start3A_759] : memref<1000003x32xf32, #tpu.memory_space<hbm>> -> memref<1000003x32xf32, #tpu.memory_space<hbm>>
      tpu.enqueue_indirect_dma source(%dma_start3A_760 : memref<1000003x32xf32, #tpu.memory_space<hbm>>) target(%dma_start3A_754 : memref<200x32xf32, #tpu.memory_space<vmem>>) offsets(%dma_start3A_757 : memref<200xi32, #tpu.memory_space<vmem>>) semaphore(%arg9 : memref<!tpu.dma_semaphore, #tpu.memory_space<semaphore_mem>>)
      %dma_wait3A_761 = arith.constant 0 : i32
      %dma_wait3A_762 = arith.constant 3 : i32
      %dma_wait3A_763 = arith.constant 0 : i32
      %dma_wait3A_764 = arith.constant 0 : i32
      %dma_wait3A_765 = tpu.memref_slice %arg6[%dma_wait3A_762, %dma_wait3A_763, %dma_wait3A_764] : memref<8x200x32xf32, #tpu.memory_space<vmem>> -> memref<1x200x32xf32, #tpu.memory_space<vmem>>
      %dma_wait3A_766 = tpu.memref_squeeze %dma_wait3A_765 : memref<1x200x32xf32, #tpu.memory_space<vmem>> -> memref<200x32xf32, #tpu.memory_space<vmem>>
      %dma_wait3A_767 = arith.constant 0 : i32
      %dma_wait3A_768 = arith.constant 0 : i32
      %dma_wait3A_769 = tpu.memref_slice %arg4[%dma_wait3A_761, %dma_wait3A_767, %dma_wait3A_768] : memref<4096x200x32xf32, #tpu.memory_space<hbm>> -> memref<1x200x32xf32, #tpu.memory_space<hbm>>
      %dma_wait3A_770 = tpu.memref_squeeze %dma_wait3A_769 : memref<1x200x32xf32, #tpu.memory_space<hbm>> -> memref<200x32xf32, #tpu.memory_space<hbm>>
      %dma_wait3A_771 = arith.constant 0 : i32
      %dma_wait3A_772 = arith.constant 0 : i32
      %dma_wait3A_773 = tpu.memref_slice %arg6[%dma_wait3A_762, %dma_wait3A_771, %dma_wait3A_772] : memref<8x200x32xf32, #tpu.memory_space<vmem>> -> memref<1x200x32xf32, #tpu.memory_space<vmem>>
      %dma_wait3A_774 = tpu.memref_squeeze %dma_wait3A_773 : memref<1x200x32xf32, #tpu.memory_space<vmem>> -> memref<200x32xf32, #tpu.memory_space<vmem>>
      %dma_wait3A_775 = arith.constant 0 : i32
      %dma_wait3A_776 = arith.constant 0 : i32
      %dma_wait3A_777 = tpu.memref_slice %arg4[%dma_wait3A_761, %dma_wait3A_775, %dma_wait3A_776] : memref<4096x200x32xf32, #tpu.memory_space<hbm>> -> memref<1x200x32xf32, #tpu.memory_space<hbm>>
      %dma_wait3A_778 = tpu.memref_squeeze %dma_wait3A_777 : memref<1x200x32xf32, #tpu.memory_space<hbm>> -> memref<200x32xf32, #tpu.memory_space<hbm>>
      tpu.wait_dma2 semaphore(%arg10 : memref<!tpu.dma_semaphore, #tpu.memory_space<semaphore_mem>>) src(%dma_wait3A_778 : memref<200x32xf32, #tpu.memory_space<hbm>>) dst(%dma_wait3A_774 : memref<200x32xf32, #tpu.memory_space<vmem>>)
      %add3A_779 = arith.constant 3 : i32
      %add3A_780 = arith.addi %mul3A_547, %add3A_779 : i32
      %add3A_781 = arith.addi %mul3A_2, %add3A_780 : i32
      %dma_start3A_782 = arith.constant 3 : i32
      %dma_start3A_783 = arith.constant 0 : i32
      %dma_start3A_784 = arith.constant 0 : i32
      %dma_start3A_785 = tpu.memref_slice %arg6[%dma_start3A_782, %dma_start3A_783, %dma_start3A_784] : memref<8x200x32xf32, #tpu.memory_space<vmem>> -> memref<1x200x32xf32, #tpu.memory_space<vmem>>
      %dma_start3A_786 = tpu.memref_squeeze %dma_start3A_785 : memref<1x200x32xf32, #tpu.memory_space<vmem>> -> memref<200x32xf32, #tpu.memory_space<vmem>>
      %dma_start3A_787 = arith.constant 0 : i32
      %dma_start3A_788 = arith.constant 0 : i32
      %dma_start3A_789 = tpu.memref_slice %arg4[%add3A_781, %dma_start3A_787, %dma_start3A_788] : memref<4096x200x32xf32, #tpu.memory_space<hbm>> -> memref<1x200x32xf32, #tpu.memory_space<hbm>>
      %dma_start3A_790 = tpu.memref_squeeze %dma_start3A_789 : memref<1x200x32xf32, #tpu.memory_space<hbm>> -> memref<200x32xf32, #tpu.memory_space<hbm>>
      %dma_start3A_791 = arith.constant 0 : i32
      %dma_start3A_792 = arith.constant 0 : i32
      %dma_start3A_793 = tpu.memref_slice %arg4[%add3A_781, %dma_start3A_791, %dma_start3A_792] : memref<4096x200x32xf32, #tpu.memory_space<hbm>> -> memref<1x200x32xf32, #tpu.memory_space<hbm>>
      %dma_start3A_794 = tpu.memref_squeeze %dma_start3A_793 : memref<1x200x32xf32, #tpu.memory_space<hbm>> -> memref<200x32xf32, #tpu.memory_space<hbm>>
      %dma_start3A_795 = arith.constant 0 : i32
      %dma_start3A_796 = arith.constant 0 : i32
      %dma_start3A_797 = tpu.memref_slice %arg6[%dma_start3A_782, %dma_start3A_795, %dma_start3A_796] : memref<8x200x32xf32, #tpu.memory_space<vmem>> -> memref<1x200x32xf32, #tpu.memory_space<vmem>>
      %dma_start3A_798 = tpu.memref_squeeze %dma_start3A_797 : memref<1x200x32xf32, #tpu.memory_space<vmem>> -> memref<200x32xf32, #tpu.memory_space<vmem>>
      tpu.enqueue_dma source(%dma_start3A_798 : memref<200x32xf32, #tpu.memory_space<vmem>>) target(%dma_start3A_794 : memref<200x32xf32, #tpu.memory_space<hbm>>) target_semaphore(%arg18 : memref<!tpu.dma_semaphore, #tpu.memory_space<semaphore_mem>>)
      %dma_wait3A_799 = arith.constant 3 : i32
      %dma_wait3A_800 = arith.constant 0 : i32
      %dma_wait3A_801 = arith.constant 0 : i32
      %dma_wait3A_802 = arith.constant 0 : i32
      %dma_wait3A_803 = tpu.memref_slice %arg6[%dma_wait3A_799, %dma_wait3A_801, %dma_wait3A_802] : memref<8x200x32xf32, #tpu.memory_space<vmem>> -> memref<1x200x32xf32, #tpu.memory_space<vmem>>
      %dma_wait3A_804 = tpu.memref_squeeze %dma_wait3A_803 : memref<1x200x32xf32, #tpu.memory_space<vmem>> -> memref<200x32xf32, #tpu.memory_space<vmem>>
      %dma_wait3A_805 = arith.constant 0 : i32
      %dma_wait3A_806 = arith.constant 0 : i32
      %dma_wait3A_807 = tpu.memref_slice %arg4[%dma_wait3A_800, %dma_wait3A_805, %dma_wait3A_806] : memref<4096x200x32xf32, #tpu.memory_space<hbm>> -> memref<1x200x32xf32, #tpu.memory_space<hbm>>
      %dma_wait3A_808 = tpu.memref_squeeze %dma_wait3A_807 : memref<1x200x32xf32, #tpu.memory_space<hbm>> -> memref<200x32xf32, #tpu.memory_space<hbm>>
      %dma_wait3A_809 = arith.constant 0 : i32
      %dma_wait3A_810 = arith.constant 0 : i32
      %dma_wait3A_811 = tpu.memref_slice %arg4[%dma_wait3A_800, %dma_wait3A_809, %dma_wait3A_810] : memref<4096x200x32xf32, #tpu.memory_space<hbm>> -> memref<1x200x32xf32, #tpu.memory_space<hbm>>
      %dma_wait3A_812 = tpu.memref_squeeze %dma_wait3A_811 : memref<1x200x32xf32, #tpu.memory_space<hbm>> -> memref<200x32xf32, #tpu.memory_space<hbm>>
      %dma_wait3A_813 = arith.constant 0 : i32
      %dma_wait3A_814 = arith.constant 0 : i32
      %dma_wait3A_815 = tpu.memref_slice %arg6[%dma_wait3A_799, %dma_wait3A_813, %dma_wait3A_814] : memref<8x200x32xf32, #tpu.memory_space<vmem>> -> memref<1x200x32xf32, #tpu.memory_space<vmem>>
      %dma_wait3A_816 = tpu.memref_squeeze %dma_wait3A_815 : memref<1x200x32xf32, #tpu.memory_space<vmem>> -> memref<200x32xf32, #tpu.memory_space<vmem>>
      tpu.wait_dma2 semaphore(%arg18 : memref<!tpu.dma_semaphore, #tpu.memory_space<semaphore_mem>>) src(%dma_wait3A_816 : memref<200x32xf32, #tpu.memory_space<vmem>>) dst(%dma_wait3A_812 : memref<200x32xf32, #tpu.memory_space<hbm>>)
      %add3A_817 = arith.constant 8 : i32
      %add3A_818 = arith.addi %mul3A_547, %add3A_817 : i32
      %add3A_819 = arith.constant 3 : i32
      %add3A_820 = arith.addi %add3A_818, %add3A_819 : i32
      %dma_start3A_821 = arith.constant 3 : i32
      %dma_start3A_822 = arith.constant 0 : i32
      %dma_start3A_823 = arith.constant 0 : i32
      %dma_start3A_824 = tpu.memref_slice %arg6[%dma_start3A_821, %dma_start3A_822, %dma_start3A_823] : memref<8x200x32xf32, #tpu.memory_space<vmem>> -> memref<1x200x32xf32, #tpu.memory_space<vmem>>
      %dma_start3A_825 = tpu.memref_squeeze %dma_start3A_824 : memref<1x200x32xf32, #tpu.memory_space<vmem>> -> memref<200x32xf32, #tpu.memory_space<vmem>>
      %dma_start3A_826 = arith.constant 0 : i32
      %dma_start3A_827 = tpu.memref_slice %arg5[%add3A_820, %dma_start3A_826] : memref<128x200xi32, #tpu.memory_space<vmem>> -> memref<1x200xi32, #tpu.memory_space<vmem>>
      %dma_start3A_828 = tpu.memref_squeeze %dma_start3A_827 : memref<1x200xi32, #tpu.memory_space<vmem>> -> memref<200xi32, #tpu.memory_space<vmem>>
      %dma_start3A_829 = arith.constant 0 : i32
      %dma_start3A_830 = arith.constant 0 : i32
      %dma_start3A_831 = tpu.memref_slice %arg3[%dma_start3A_829, %dma_start3A_830] : memref<1000003x32xf32, #tpu.memory_space<hbm>> -> memref<1000003x32xf32, #tpu.memory_space<hbm>>
      tpu.enqueue_indirect_dma source(%dma_start3A_831 : memref<1000003x32xf32, #tpu.memory_space<hbm>>) target(%dma_start3A_825 : memref<200x32xf32, #tpu.memory_space<vmem>>) offsets(%dma_start3A_828 : memref<200xi32, #tpu.memory_space<vmem>>) semaphore(%arg10 : memref<!tpu.dma_semaphore, #tpu.memory_space<semaphore_mem>>)
      %dma_wait3A_832 = arith.constant 0 : i32
      %dma_wait3A_833 = arith.constant 4 : i32
      %dma_wait3A_834 = arith.constant 0 : i32
      %dma_wait3A_835 = arith.constant 0 : i32
      %dma_wait3A_836 = tpu.memref_slice %arg6[%dma_wait3A_833, %dma_wait3A_834, %dma_wait3A_835] : memref<8x200x32xf32, #tpu.memory_space<vmem>> -> memref<1x200x32xf32, #tpu.memory_space<vmem>>
      %dma_wait3A_837 = tpu.memref_squeeze %dma_wait3A_836 : memref<1x200x32xf32, #tpu.memory_space<vmem>> -> memref<200x32xf32, #tpu.memory_space<vmem>>
      %dma_wait3A_838 = arith.constant 0 : i32
      %dma_wait3A_839 = arith.constant 0 : i32
      %dma_wait3A_840 = tpu.memref_slice %arg4[%dma_wait3A_832, %dma_wait3A_838, %dma_wait3A_839] : memref<4096x200x32xf32, #tpu.memory_space<hbm>> -> memref<1x200x32xf32, #tpu.memory_space<hbm>>
      %dma_wait3A_841 = tpu.memref_squeeze %dma_wait3A_840 : memref<1x200x32xf32, #tpu.memory_space<hbm>> -> memref<200x32xf32, #tpu.memory_space<hbm>>
      %dma_wait3A_842 = arith.constant 0 : i32
      %dma_wait3A_843 = arith.constant 0 : i32
      %dma_wait3A_844 = tpu.memref_slice %arg6[%dma_wait3A_833, %dma_wait3A_842, %dma_wait3A_843] : memref<8x200x32xf32, #tpu.memory_space<vmem>> -> memref<1x200x32xf32, #tpu.memory_space<vmem>>
      %dma_wait3A_845 = tpu.memref_squeeze %dma_wait3A_844 : memref<1x200x32xf32, #tpu.memory_space<vmem>> -> memref<200x32xf32, #tpu.memory_space<vmem>>
      %dma_wait3A_846 = arith.constant 0 : i32
      %dma_wait3A_847 = arith.constant 0 : i32
      %dma_wait3A_848 = tpu.memref_slice %arg4[%dma_wait3A_832, %dma_wait3A_846, %dma_wait3A_847] : memref<4096x200x32xf32, #tpu.memory_space<hbm>> -> memref<1x200x32xf32, #tpu.memory_space<hbm>>
      %dma_wait3A_849 = tpu.memref_squeeze %dma_wait3A_848 : memref<1x200x32xf32, #tpu.memory_space<hbm>> -> memref<200x32xf32, #tpu.memory_space<hbm>>
      tpu.wait_dma2 semaphore(%arg11 : memref<!tpu.dma_semaphore, #tpu.memory_space<semaphore_mem>>) src(%dma_wait3A_849 : memref<200x32xf32, #tpu.memory_space<hbm>>) dst(%dma_wait3A_845 : memref<200x32xf32, #tpu.memory_space<vmem>>)
      %add3A_850 = arith.constant 4 : i32
      %add3A_851 = arith.addi %mul3A_547, %add3A_850 : i32
      %add3A_852 = arith.addi %mul3A_2, %add3A_851 : i32
      %dma_start3A_853 = arith.constant 4 : i32
      %dma_start3A_854 = arith.constant 0 : i32
      %dma_start3A_855 = arith.constant 0 : i32
      %dma_start3A_856 = tpu.memref_slice %arg6[%dma_start3A_853, %dma_start3A_854, %dma_start3A_855] : memref<8x200x32xf32, #tpu.memory_space<vmem>> -> memref<1x200x32xf32, #tpu.memory_space<vmem>>
      %dma_start3A_857 = tpu.memref_squeeze %dma_start3A_856 : memref<1x200x32xf32, #tpu.memory_space<vmem>> -> memref<200x32xf32, #tpu.memory_space<vmem>>
      %dma_start3A_858 = arith.constant 0 : i32
      %dma_start3A_859 = arith.constant 0 : i32
      %dma_start3A_860 = tpu.memref_slice %arg4[%add3A_852, %dma_start3A_858, %dma_start3A_859] : memref<4096x200x32xf32, #tpu.memory_space<hbm>> -> memref<1x200x32xf32, #tpu.memory_space<hbm>>
      %dma_start3A_861 = tpu.memref_squeeze %dma_start3A_860 : memref<1x200x32xf32, #tpu.memory_space<hbm>> -> memref<200x32xf32, #tpu.memory_space<hbm>>
      %dma_start3A_862 = arith.constant 0 : i32
      %dma_start3A_863 = arith.constant 0 : i32
      %dma_start3A_864 = tpu.memref_slice %arg4[%add3A_852, %dma_start3A_862, %dma_start3A_863] : memref<4096x200x32xf32, #tpu.memory_space<hbm>> -> memref<1x200x32xf32, #tpu.memory_space<hbm>>
      %dma_start3A_865 = tpu.memref_squeeze %dma_start3A_864 : memref<1x200x32xf32, #tpu.memory_space<hbm>> -> memref<200x32xf32, #tpu.memory_space<hbm>>
      %dma_start3A_866 = arith.constant 0 : i32
      %dma_start3A_867 = arith.constant 0 : i32
      %dma_start3A_868 = tpu.memref_slice %arg6[%dma_start3A_853, %dma_start3A_866, %dma_start3A_867] : memref<8x200x32xf32, #tpu.memory_space<vmem>> -> memref<1x200x32xf32, #tpu.memory_space<vmem>>
      %dma_start3A_869 = tpu.memref_squeeze %dma_start3A_868 : memref<1x200x32xf32, #tpu.memory_space<vmem>> -> memref<200x32xf32, #tpu.memory_space<vmem>>
      tpu.enqueue_dma source(%dma_start3A_869 : memref<200x32xf32, #tpu.memory_space<vmem>>) target(%dma_start3A_865 : memref<200x32xf32, #tpu.memory_space<hbm>>) target_semaphore(%arg19 : memref<!tpu.dma_semaphore, #tpu.memory_space<semaphore_mem>>)
      %dma_wait3A_870 = arith.constant 4 : i32
      %dma_wait3A_871 = arith.constant 0 : i32
      %dma_wait3A_872 = arith.constant 0 : i32
      %dma_wait3A_873 = arith.constant 0 : i32
      %dma_wait3A_874 = tpu.memref_slice %arg6[%dma_wait3A_870, %dma_wait3A_872, %dma_wait3A_873] : memref<8x200x32xf32, #tpu.memory_space<vmem>> -> memref<1x200x32xf32, #tpu.memory_space<vmem>>
      %dma_wait3A_875 = tpu.memref_squeeze %dma_wait3A_874 : memref<1x200x32xf32, #tpu.memory_space<vmem>> -> memref<200x32xf32, #tpu.memory_space<vmem>>
      %dma_wait3A_876 = arith.constant 0 : i32
      %dma_wait3A_877 = arith.constant 0 : i32
      %dma_wait3A_878 = tpu.memref_slice %arg4[%dma_wait3A_871, %dma_wait3A_876, %dma_wait3A_877] : memref<4096x200x32xf32, #tpu.memory_space<hbm>> -> memref<1x200x32xf32, #tpu.memory_space<hbm>>
      %dma_wait3A_879 = tpu.memref_squeeze %dma_wait3A_878 : memref<1x200x32xf32, #tpu.memory_space<hbm>> -> memref<200x32xf32, #tpu.memory_space<hbm>>
      %dma_wait3A_880 = arith.constant 0 : i32
      %dma_wait3A_881 = arith.constant 0 : i32
      %dma_wait3A_882 = tpu.memref_slice %arg4[%dma_wait3A_871, %dma_wait3A_880, %dma_wait3A_881] : memref<4096x200x32xf32, #tpu.memory_space<hbm>> -> memref<1x200x32xf32, #tpu.memory_space<hbm>>
      %dma_wait3A_883 = tpu.memref_squeeze %dma_wait3A_882 : memref<1x200x32xf32, #tpu.memory_space<hbm>> -> memref<200x32xf32, #tpu.memory_space<hbm>>
      %dma_wait3A_884 = arith.constant 0 : i32
      %dma_wait3A_885 = arith.constant 0 : i32
      %dma_wait3A_886 = tpu.memref_slice %arg6[%dma_wait3A_870, %dma_wait3A_884, %dma_wait3A_885] : memref<8x200x32xf32, #tpu.memory_space<vmem>> -> memref<1x200x32xf32, #tpu.memory_space<vmem>>
      %dma_wait3A_887 = tpu.memref_squeeze %dma_wait3A_886 : memref<1x200x32xf32, #tpu.memory_space<vmem>> -> memref<200x32xf32, #tpu.memory_space<vmem>>
      tpu.wait_dma2 semaphore(%arg19 : memref<!tpu.dma_semaphore, #tpu.memory_space<semaphore_mem>>) src(%dma_wait3A_887 : memref<200x32xf32, #tpu.memory_space<vmem>>) dst(%dma_wait3A_883 : memref<200x32xf32, #tpu.memory_space<hbm>>)
      %add3A_888 = arith.constant 8 : i32
      %add3A_889 = arith.addi %mul3A_547, %add3A_888 : i32
      %add3A_890 = arith.constant 4 : i32
      %add3A_891 = arith.addi %add3A_889, %add3A_890 : i32
      %dma_start3A_892 = arith.constant 4 : i32
      %dma_start3A_893 = arith.constant 0 : i32
      %dma_start3A_894 = arith.constant 0 : i32
      %dma_start3A_895 = tpu.memref_slice %arg6[%dma_start3A_892, %dma_start3A_893, %dma_start3A_894] : memref<8x200x32xf32, #tpu.memory_space<vmem>> -> memref<1x200x32xf32, #tpu.memory_space<vmem>>
      %dma_start3A_896 = tpu.memref_squeeze %dma_start3A_895 : memref<1x200x32xf32, #tpu.memory_space<vmem>> -> memref<200x32xf32, #tpu.memory_space<vmem>>
      %dma_start3A_897 = arith.constant 0 : i32
      %dma_start3A_898 = tpu.memref_slice %arg5[%add3A_891, %dma_start3A_897] : memref<128x200xi32, #tpu.memory_space<vmem>> -> memref<1x200xi32, #tpu.memory_space<vmem>>
      %dma_start3A_899 = tpu.memref_squeeze %dma_start3A_898 : memref<1x200xi32, #tpu.memory_space<vmem>> -> memref<200xi32, #tpu.memory_space<vmem>>
      %dma_start3A_900 = arith.constant 0 : i32
      %dma_start3A_901 = arith.constant 0 : i32
      %dma_start3A_902 = tpu.memref_slice %arg3[%dma_start3A_900, %dma_start3A_901] : memref<1000003x32xf32, #tpu.memory_space<hbm>> -> memref<1000003x32xf32, #tpu.memory_space<hbm>>
      tpu.enqueue_indirect_dma source(%dma_start3A_902 : memref<1000003x32xf32, #tpu.memory_space<hbm>>) target(%dma_start3A_896 : memref<200x32xf32, #tpu.memory_space<vmem>>) offsets(%dma_start3A_899 : memref<200xi32, #tpu.memory_space<vmem>>) semaphore(%arg11 : memref<!tpu.dma_semaphore, #tpu.memory_space<semaphore_mem>>)
      %dma_wait3A_903 = arith.constant 0 : i32
      %dma_wait3A_904 = arith.constant 5 : i32
      %dma_wait3A_905 = arith.constant 0 : i32
      %dma_wait3A_906 = arith.constant 0 : i32
      %dma_wait3A_907 = tpu.memref_slice %arg6[%dma_wait3A_904, %dma_wait3A_905, %dma_wait3A_906] : memref<8x200x32xf32, #tpu.memory_space<vmem>> -> memref<1x200x32xf32, #tpu.memory_space<vmem>>
      %dma_wait3A_908 = tpu.memref_squeeze %dma_wait3A_907 : memref<1x200x32xf32, #tpu.memory_space<vmem>> -> memref<200x32xf32, #tpu.memory_space<vmem>>
      %dma_wait3A_909 = arith.constant 0 : i32
      %dma_wait3A_910 = arith.constant 0 : i32
      %dma_wait3A_911 = tpu.memref_slice %arg4[%dma_wait3A_903, %dma_wait3A_909, %dma_wait3A_910] : memref<4096x200x32xf32, #tpu.memory_space<hbm>> -> memref<1x200x32xf32, #tpu.memory_space<hbm>>
      %dma_wait3A_912 = tpu.memref_squeeze %dma_wait3A_911 : memref<1x200x32xf32, #tpu.memory_space<hbm>> -> memref<200x32xf32, #tpu.memory_space<hbm>>
      %dma_wait3A_913 = arith.constant 0 : i32
      %dma_wait3A_914 = arith.constant 0 : i32
      %dma_wait3A_915 = tpu.memref_slice %arg6[%dma_wait3A_904, %dma_wait3A_913, %dma_wait3A_914] : memref<8x200x32xf32, #tpu.memory_space<vmem>> -> memref<1x200x32xf32, #tpu.memory_space<vmem>>
      %dma_wait3A_916 = tpu.memref_squeeze %dma_wait3A_915 : memref<1x200x32xf32, #tpu.memory_space<vmem>> -> memref<200x32xf32, #tpu.memory_space<vmem>>
      %dma_wait3A_917 = arith.constant 0 : i32
      %dma_wait3A_918 = arith.constant 0 : i32
      %dma_wait3A_919 = tpu.memref_slice %arg4[%dma_wait3A_903, %dma_wait3A_917, %dma_wait3A_918] : memref<4096x200x32xf32, #tpu.memory_space<hbm>> -> memref<1x200x32xf32, #tpu.memory_space<hbm>>
      %dma_wait3A_920 = tpu.memref_squeeze %dma_wait3A_919 : memref<1x200x32xf32, #tpu.memory_space<hbm>> -> memref<200x32xf32, #tpu.memory_space<hbm>>
      tpu.wait_dma2 semaphore(%arg12 : memref<!tpu.dma_semaphore, #tpu.memory_space<semaphore_mem>>) src(%dma_wait3A_920 : memref<200x32xf32, #tpu.memory_space<hbm>>) dst(%dma_wait3A_916 : memref<200x32xf32, #tpu.memory_space<vmem>>)
      %add3A_921 = arith.constant 5 : i32
      %add3A_922 = arith.addi %mul3A_547, %add3A_921 : i32
      %add3A_923 = arith.addi %mul3A_2, %add3A_922 : i32
      %dma_start3A_924 = arith.constant 5 : i32
      %dma_start3A_925 = arith.constant 0 : i32
      %dma_start3A_926 = arith.constant 0 : i32
      %dma_start3A_927 = tpu.memref_slice %arg6[%dma_start3A_924, %dma_start3A_925, %dma_start3A_926] : memref<8x200x32xf32, #tpu.memory_space<vmem>> -> memref<1x200x32xf32, #tpu.memory_space<vmem>>
      %dma_start3A_928 = tpu.memref_squeeze %dma_start3A_927 : memref<1x200x32xf32, #tpu.memory_space<vmem>> -> memref<200x32xf32, #tpu.memory_space<vmem>>
      %dma_start3A_929 = arith.constant 0 : i32
      %dma_start3A_930 = arith.constant 0 : i32
      %dma_start3A_931 = tpu.memref_slice %arg4[%add3A_923, %dma_start3A_929, %dma_start3A_930] : memref<4096x200x32xf32, #tpu.memory_space<hbm>> -> memref<1x200x32xf32, #tpu.memory_space<hbm>>
      %dma_start3A_932 = tpu.memref_squeeze %dma_start3A_931 : memref<1x200x32xf32, #tpu.memory_space<hbm>> -> memref<200x32xf32, #tpu.memory_space<hbm>>
      %dma_start3A_933 = arith.constant 0 : i32
      %dma_start3A_934 = arith.constant 0 : i32
      %dma_start3A_935 = tpu.memref_slice %arg4[%add3A_923, %dma_start3A_933, %dma_start3A_934] : memref<4096x200x32xf32, #tpu.memory_space<hbm>> -> memref<1x200x32xf32, #tpu.memory_space<hbm>>
      %dma_start3A_936 = tpu.memref_squeeze %dma_start3A_935 : memref<1x200x32xf32, #tpu.memory_space<hbm>> -> memref<200x32xf32, #tpu.memory_space<hbm>>
      %dma_start3A_937 = arith.constant 0 : i32
      %dma_start3A_938 = arith.constant 0 : i32
      %dma_start3A_939 = tpu.memref_slice %arg6[%dma_start3A_924, %dma_start3A_937, %dma_start3A_938] : memref<8x200x32xf32, #tpu.memory_space<vmem>> -> memref<1x200x32xf32, #tpu.memory_space<vmem>>
      %dma_start3A_940 = tpu.memref_squeeze %dma_start3A_939 : memref<1x200x32xf32, #tpu.memory_space<vmem>> -> memref<200x32xf32, #tpu.memory_space<vmem>>
      tpu.enqueue_dma source(%dma_start3A_940 : memref<200x32xf32, #tpu.memory_space<vmem>>) target(%dma_start3A_936 : memref<200x32xf32, #tpu.memory_space<hbm>>) target_semaphore(%arg20 : memref<!tpu.dma_semaphore, #tpu.memory_space<semaphore_mem>>)
      %dma_wait3A_941 = arith.constant 5 : i32
      %dma_wait3A_942 = arith.constant 0 : i32
      %dma_wait3A_943 = arith.constant 0 : i32
      %dma_wait3A_944 = arith.constant 0 : i32
      %dma_wait3A_945 = tpu.memref_slice %arg6[%dma_wait3A_941, %dma_wait3A_943, %dma_wait3A_944] : memref<8x200x32xf32, #tpu.memory_space<vmem>> -> memref<1x200x32xf32, #tpu.memory_space<vmem>>
      %dma_wait3A_946 = tpu.memref_squeeze %dma_wait3A_945 : memref<1x200x32xf32, #tpu.memory_space<vmem>> -> memref<200x32xf32, #tpu.memory_space<vmem>>
      %dma_wait3A_947 = arith.constant 0 : i32
      %dma_wait3A_948 = arith.constant 0 : i32
      %dma_wait3A_949 = tpu.memref_slice %arg4[%dma_wait3A_942, %dma_wait3A_947, %dma_wait3A_948] : memref<4096x200x32xf32, #tpu.memory_space<hbm>> -> memref<1x200x32xf32, #tpu.memory_space<hbm>>
      %dma_wait3A_950 = tpu.memref_squeeze %dma_wait3A_949 : memref<1x200x32xf32, #tpu.memory_space<hbm>> -> memref<200x32xf32, #tpu.memory_space<hbm>>
      %dma_wait3A_951 = arith.constant 0 : i32
      %dma_wait3A_952 = arith.constant 0 : i32
      %dma_wait3A_953 = tpu.memref_slice %arg4[%dma_wait3A_942, %dma_wait3A_951, %dma_wait3A_952] : memref<4096x200x32xf32, #tpu.memory_space<hbm>> -> memref<1x200x32xf32, #tpu.memory_space<hbm>>
      %dma_wait3A_954 = tpu.memref_squeeze %dma_wait3A_953 : memref<1x200x32xf32, #tpu.memory_space<hbm>> -> memref<200x32xf32, #tpu.memory_space<hbm>>
      %dma_wait3A_955 = arith.constant 0 : i32
      %dma_wait3A_956 = arith.constant 0 : i32
      %dma_wait3A_957 = tpu.memref_slice %arg6[%dma_wait3A_941, %dma_wait3A_955, %dma_wait3A_956] : memref<8x200x32xf32, #tpu.memory_space<vmem>> -> memref<1x200x32xf32, #tpu.memory_space<vmem>>
      %dma_wait3A_958 = tpu.memref_squeeze %dma_wait3A_957 : memref<1x200x32xf32, #tpu.memory_space<vmem>> -> memref<200x32xf32, #tpu.memory_space<vmem>>
      tpu.wait_dma2 semaphore(%arg20 : memref<!tpu.dma_semaphore, #tpu.memory_space<semaphore_mem>>) src(%dma_wait3A_958 : memref<200x32xf32, #tpu.memory_space<vmem>>) dst(%dma_wait3A_954 : memref<200x32xf32, #tpu.memory_space<hbm>>)
      %add3A_959 = arith.constant 8 : i32
      %add3A_960 = arith.addi %mul3A_547, %add3A_959 : i32
      %add3A_961 = arith.constant 5 : i32
      %add3A_962 = arith.addi %add3A_960, %add3A_961 : i32
      %dma_start3A_963 = arith.constant 5 : i32
      %dma_start3A_964 = arith.constant 0 : i32
      %dma_start3A_965 = arith.constant 0 : i32
      %dma_start3A_966 = tpu.memref_slice %arg6[%dma_start3A_963, %dma_start3A_964, %dma_start3A_965] : memref<8x200x32xf32, #tpu.memory_space<vmem>> -> memref<1x200x32xf32, #tpu.memory_space<vmem>>
      %dma_start3A_967 = tpu.memref_squeeze %dma_start3A_966 : memref<1x200x32xf32, #tpu.memory_space<vmem>> -> memref<200x32xf32, #tpu.memory_space<vmem>>
      %dma_start3A_968 = arith.constant 0 : i32
      %dma_start3A_969 = tpu.memref_slice %arg5[%add3A_962, %dma_start3A_968] : memref<128x200xi32, #tpu.memory_space<vmem>> -> memref<1x200xi32, #tpu.memory_space<vmem>>
      %dma_start3A_970 = tpu.memref_squeeze %dma_start3A_969 : memref<1x200xi32, #tpu.memory_space<vmem>> -> memref<200xi32, #tpu.memory_space<vmem>>
      %dma_start3A_971 = arith.constant 0 : i32
      %dma_start3A_972 = arith.constant 0 : i32
      %dma_start3A_973 = tpu.memref_slice %arg3[%dma_start3A_971, %dma_start3A_972] : memref<1000003x32xf32, #tpu.memory_space<hbm>> -> memref<1000003x32xf32, #tpu.memory_space<hbm>>
      tpu.enqueue_indirect_dma source(%dma_start3A_973 : memref<1000003x32xf32, #tpu.memory_space<hbm>>) target(%dma_start3A_967 : memref<200x32xf32, #tpu.memory_space<vmem>>) offsets(%dma_start3A_970 : memref<200xi32, #tpu.memory_space<vmem>>) semaphore(%arg12 : memref<!tpu.dma_semaphore, #tpu.memory_space<semaphore_mem>>)
      %dma_wait3A_974 = arith.constant 0 : i32
      %dma_wait3A_975 = arith.constant 6 : i32
      %dma_wait3A_976 = arith.constant 0 : i32
      %dma_wait3A_977 = arith.constant 0 : i32
      %dma_wait3A_978 = tpu.memref_slice %arg6[%dma_wait3A_975, %dma_wait3A_976, %dma_wait3A_977] : memref<8x200x32xf32, #tpu.memory_space<vmem>> -> memref<1x200x32xf32, #tpu.memory_space<vmem>>
      %dma_wait3A_979 = tpu.memref_squeeze %dma_wait3A_978 : memref<1x200x32xf32, #tpu.memory_space<vmem>> -> memref<200x32xf32, #tpu.memory_space<vmem>>
      %dma_wait3A_980 = arith.constant 0 : i32
      %dma_wait3A_981 = arith.constant 0 : i32
      %dma_wait3A_982 = tpu.memref_slice %arg4[%dma_wait3A_974, %dma_wait3A_980, %dma_wait3A_981] : memref<4096x200x32xf32, #tpu.memory_space<hbm>> -> memref<1x200x32xf32, #tpu.memory_space<hbm>>
      %dma_wait3A_983 = tpu.memref_squeeze %dma_wait3A_982 : memref<1x200x32xf32, #tpu.memory_space<hbm>> -> memref<200x32xf32, #tpu.memory_space<hbm>>
      %dma_wait3A_984 = arith.constant 0 : i32
      %dma_wait3A_985 = arith.constant 0 : i32
      %dma_wait3A_986 = tpu.memref_slice %arg6[%dma_wait3A_975, %dma_wait3A_984, %dma_wait3A_985] : memref<8x200x32xf32, #tpu.memory_space<vmem>> -> memref<1x200x32xf32, #tpu.memory_space<vmem>>
      %dma_wait3A_987 = tpu.memref_squeeze %dma_wait3A_986 : memref<1x200x32xf32, #tpu.memory_space<vmem>> -> memref<200x32xf32, #tpu.memory_space<vmem>>
      %dma_wait3A_988 = arith.constant 0 : i32
      %dma_wait3A_989 = arith.constant 0 : i32
      %dma_wait3A_990 = tpu.memref_slice %arg4[%dma_wait3A_974, %dma_wait3A_988, %dma_wait3A_989] : memref<4096x200x32xf32, #tpu.memory_space<hbm>> -> memref<1x200x32xf32, #tpu.memory_space<hbm>>
      %dma_wait3A_991 = tpu.memref_squeeze %dma_wait3A_990 : memref<1x200x32xf32, #tpu.memory_space<hbm>> -> memref<200x32xf32, #tpu.memory_space<hbm>>
      tpu.wait_dma2 semaphore(%arg13 : memref<!tpu.dma_semaphore, #tpu.memory_space<semaphore_mem>>) src(%dma_wait3A_991 : memref<200x32xf32, #tpu.memory_space<hbm>>) dst(%dma_wait3A_987 : memref<200x32xf32, #tpu.memory_space<vmem>>)
      %add3A_992 = arith.constant 6 : i32
      %add3A_993 = arith.addi %mul3A_547, %add3A_992 : i32
      %add3A_994 = arith.addi %mul3A_2, %add3A_993 : i32
      %dma_start3A_995 = arith.constant 6 : i32
      %dma_start3A_996 = arith.constant 0 : i32
      %dma_start3A_997 = arith.constant 0 : i32
      %dma_start3A_998 = tpu.memref_slice %arg6[%dma_start3A_995, %dma_start3A_996, %dma_start3A_997] : memref<8x200x32xf32, #tpu.memory_space<vmem>> -> memref<1x200x32xf32, #tpu.memory_space<vmem>>
      %dma_start3A_999 = tpu.memref_squeeze %dma_start3A_998 : memref<1x200x32xf32, #tpu.memory_space<vmem>> -> memref<200x32xf32, #tpu.memory_space<vmem>>
      %dma_start3A_1000 = arith.constant 0 : i32
      %dma_start3A_1001 = arith.constant 0 : i32
      %dma_start3A_1002 = tpu.memref_slice %arg4[%add3A_994, %dma_start3A_1000, %dma_start3A_1001] : memref<4096x200x32xf32, #tpu.memory_space<hbm>> -> memref<1x200x32xf32, #tpu.memory_space<hbm>>
      %dma_start3A_1003 = tpu.memref_squeeze %dma_start3A_1002 : memref<1x200x32xf32, #tpu.memory_space<hbm>> -> memref<200x32xf32, #tpu.memory_space<hbm>>
      %dma_start3A_1004 = arith.constant 0 : i32
      %dma_start3A_1005 = arith.constant 0 : i32
      %dma_start3A_1006 = tpu.memref_slice %arg4[%add3A_994, %dma_start3A_1004, %dma_start3A_1005] : memref<4096x200x32xf32, #tpu.memory_space<hbm>> -> memref<1x200x32xf32, #tpu.memory_space<hbm>>
      %dma_start3A_1007 = tpu.memref_squeeze %dma_start3A_1006 : memref<1x200x32xf32, #tpu.memory_space<hbm>> -> memref<200x32xf32, #tpu.memory_space<hbm>>
      %dma_start3A_1008 = arith.constant 0 : i32
      %dma_start3A_1009 = arith.constant 0 : i32
      %dma_start3A_1010 = tpu.memref_slice %arg6[%dma_start3A_995, %dma_start3A_1008, %dma_start3A_1009] : memref<8x200x32xf32, #tpu.memory_space<vmem>> -> memref<1x200x32xf32, #tpu.memory_space<vmem>>
      %dma_start3A_1011 = tpu.memref_squeeze %dma_start3A_1010 : memref<1x200x32xf32, #tpu.memory_space<vmem>> -> memref<200x32xf32, #tpu.memory_space<vmem>>
      tpu.enqueue_dma source(%dma_start3A_1011 : memref<200x32xf32, #tpu.memory_space<vmem>>) target(%dma_start3A_1007 : memref<200x32xf32, #tpu.memory_space<hbm>>) target_semaphore(%arg21 : memref<!tpu.dma_semaphore, #tpu.memory_space<semaphore_mem>>)
      %dma_wait3A_1012 = arith.constant 6 : i32
      %dma_wait3A_1013 = arith.constant 0 : i32
      %dma_wait3A_1014 = arith.constant 0 : i32
      %dma_wait3A_1015 = arith.constant 0 : i32
      %dma_wait3A_1016 = tpu.memref_slice %arg6[%dma_wait3A_1012, %dma_wait3A_1014, %dma_wait3A_1015] : memref<8x200x32xf32, #tpu.memory_space<vmem>> -> memref<1x200x32xf32, #tpu.memory_space<vmem>>
      %dma_wait3A_1017 = tpu.memref_squeeze %dma_wait3A_1016 : memref<1x200x32xf32, #tpu.memory_space<vmem>> -> memref<200x32xf32, #tpu.memory_space<vmem>>
      %dma_wait3A_1018 = arith.constant 0 : i32
      %dma_wait3A_1019 = arith.constant 0 : i32
      %dma_wait3A_1020 = tpu.memref_slice %arg4[%dma_wait3A_1013, %dma_wait3A_1018, %dma_wait3A_1019] : memref<4096x200x32xf32, #tpu.memory_space<hbm>> -> memref<1x200x32xf32, #tpu.memory_space<hbm>>
      %dma_wait3A_1021 = tpu.memref_squeeze %dma_wait3A_1020 : memref<1x200x32xf32, #tpu.memory_space<hbm>> -> memref<200x32xf32, #tpu.memory_space<hbm>>
      %dma_wait3A_1022 = arith.constant 0 : i32
      %dma_wait3A_1023 = arith.constant 0 : i32
      %dma_wait3A_1024 = tpu.memref_slice %arg4[%dma_wait3A_1013, %dma_wait3A_1022, %dma_wait3A_1023] : memref<4096x200x32xf32, #tpu.memory_space<hbm>> -> memref<1x200x32xf32, #tpu.memory_space<hbm>>
      %dma_wait3A_1025 = tpu.memref_squeeze %dma_wait3A_1024 : memref<1x200x32xf32, #tpu.memory_space<hbm>> -> memref<200x32xf32, #tpu.memory_space<hbm>>
      %dma_wait3A_1026 = arith.constant 0 : i32
      %dma_wait3A_1027 = arith.constant 0 : i32
      %dma_wait3A_1028 = tpu.memref_slice %arg6[%dma_wait3A_1012, %dma_wait3A_1026, %dma_wait3A_1027] : memref<8x200x32xf32, #tpu.memory_space<vmem>> -> memref<1x200x32xf32, #tpu.memory_space<vmem>>
      %dma_wait3A_1029 = tpu.memref_squeeze %dma_wait3A_1028 : memref<1x200x32xf32, #tpu.memory_space<vmem>> -> memref<200x32xf32, #tpu.memory_space<vmem>>
      tpu.wait_dma2 semaphore(%arg21 : memref<!tpu.dma_semaphore, #tpu.memory_space<semaphore_mem>>) src(%dma_wait3A_1029 : memref<200x32xf32, #tpu.memory_space<vmem>>) dst(%dma_wait3A_1025 : memref<200x32xf32, #tpu.memory_space<hbm>>)
      %add3A_1030 = arith.constant 8 : i32
      %add3A_1031 = arith.addi %mul3A_547, %add3A_1030 : i32
      %add3A_1032 = arith.constant 6 : i32
      %add3A_1033 = arith.addi %add3A_1031, %add3A_1032 : i32
      %dma_start3A_1034 = arith.constant 6 : i32
      %dma_start3A_1035 = arith.constant 0 : i32
      %dma_start3A_1036 = arith.constant 0 : i32
      %dma_start3A_1037 = tpu.memref_slice %arg6[%dma_start3A_1034, %dma_start3A_1035, %dma_start3A_1036] : memref<8x200x32xf32, #tpu.memory_space<vmem>> -> memref<1x200x32xf32, #tpu.memory_space<vmem>>
      %dma_start3A_1038 = tpu.memref_squeeze %dma_start3A_1037 : memref<1x200x32xf32, #tpu.memory_space<vmem>> -> memref<200x32xf32, #tpu.memory_space<vmem>>
      %dma_start3A_1039 = arith.constant 0 : i32
      %dma_start3A_1040 = tpu.memref_slice %arg5[%add3A_1033, %dma_start3A_1039] : memref<128x200xi32, #tpu.memory_space<vmem>> -> memref<1x200xi32, #tpu.memory_space<vmem>>
      %dma_start3A_1041 = tpu.memref_squeeze %dma_start3A_1040 : memref<1x200xi32, #tpu.memory_space<vmem>> -> memref<200xi32, #tpu.memory_space<vmem>>
      %dma_start3A_1042 = arith.constant 0 : i32
      %dma_start3A_1043 = arith.constant 0 : i32
      %dma_start3A_1044 = tpu.memref_slice %arg3[%dma_start3A_1042, %dma_start3A_1043] : memref<1000003x32xf32, #tpu.memory_space<hbm>> -> memref<1000003x32xf32, #tpu.memory_space<hbm>>
      tpu.enqueue_indirect_dma source(%dma_start3A_1044 : memref<1000003x32xf32, #tpu.memory_space<hbm>>) target(%dma_start3A_1038 : memref<200x32xf32, #tpu.memory_space<vmem>>) offsets(%dma_start3A_1041 : memref<200xi32, #tpu.memory_space<vmem>>) semaphore(%arg13 : memref<!tpu.dma_semaphore, #tpu.memory_space<semaphore_mem>>)
      %dma_wait3A_1045 = arith.constant 0 : i32
      %dma_wait3A_1046 = arith.constant 7 : i32
      %dma_wait3A_1047 = arith.constant 0 : i32
      %dma_wait3A_1048 = arith.constant 0 : i32
      %dma_wait3A_1049 = tpu.memref_slice %arg6[%dma_wait3A_1046, %dma_wait3A_1047, %dma_wait3A_1048] : memref<8x200x32xf32, #tpu.memory_space<vmem>> -> memref<1x200x32xf32, #tpu.memory_space<vmem>>
      %dma_wait3A_1050 = tpu.memref_squeeze %dma_wait3A_1049 : memref<1x200x32xf32, #tpu.memory_space<vmem>> -> memref<200x32xf32, #tpu.memory_space<vmem>>
      %dma_wait3A_1051 = arith.constant 0 : i32
      %dma_wait3A_1052 = arith.constant 0 : i32
      %dma_wait3A_1053 = tpu.memref_slice %arg4[%dma_wait3A_1045, %dma_wait3A_1051, %dma_wait3A_1052] : memref<4096x200x32xf32, #tpu.memory_space<hbm>> -> memref<1x200x32xf32, #tpu.memory_space<hbm>>
      %dma_wait3A_1054 = tpu.memref_squeeze %dma_wait3A_1053 : memref<1x200x32xf32, #tpu.memory_space<hbm>> -> memref<200x32xf32, #tpu.memory_space<hbm>>
      %dma_wait3A_1055 = arith.constant 0 : i32
      %dma_wait3A_1056 = arith.constant 0 : i32
      %dma_wait3A_1057 = tpu.memref_slice %arg6[%dma_wait3A_1046, %dma_wait3A_1055, %dma_wait3A_1056] : memref<8x200x32xf32, #tpu.memory_space<vmem>> -> memref<1x200x32xf32, #tpu.memory_space<vmem>>
      %dma_wait3A_1058 = tpu.memref_squeeze %dma_wait3A_1057 : memref<1x200x32xf32, #tpu.memory_space<vmem>> -> memref<200x32xf32, #tpu.memory_space<vmem>>
      %dma_wait3A_1059 = arith.constant 0 : i32
      %dma_wait3A_1060 = arith.constant 0 : i32
      %dma_wait3A_1061 = tpu.memref_slice %arg4[%dma_wait3A_1045, %dma_wait3A_1059, %dma_wait3A_1060] : memref<4096x200x32xf32, #tpu.memory_space<hbm>> -> memref<1x200x32xf32, #tpu.memory_space<hbm>>
      %dma_wait3A_1062 = tpu.memref_squeeze %dma_wait3A_1061 : memref<1x200x32xf32, #tpu.memory_space<hbm>> -> memref<200x32xf32, #tpu.memory_space<hbm>>
      tpu.wait_dma2 semaphore(%arg14 : memref<!tpu.dma_semaphore, #tpu.memory_space<semaphore_mem>>) src(%dma_wait3A_1062 : memref<200x32xf32, #tpu.memory_space<hbm>>) dst(%dma_wait3A_1058 : memref<200x32xf32, #tpu.memory_space<vmem>>)
      %add3A_1063 = arith.constant 7 : i32
      %add3A_1064 = arith.addi %mul3A_547, %add3A_1063 : i32
      %add3A_1065 = arith.addi %mul3A_2, %add3A_1064 : i32
      %dma_start3A_1066 = arith.constant 7 : i32
      %dma_start3A_1067 = arith.constant 0 : i32
      %dma_start3A_1068 = arith.constant 0 : i32
      %dma_start3A_1069 = tpu.memref_slice %arg6[%dma_start3A_1066, %dma_start3A_1067, %dma_start3A_1068] : memref<8x200x32xf32, #tpu.memory_space<vmem>> -> memref<1x200x32xf32, #tpu.memory_space<vmem>>
      %dma_start3A_1070 = tpu.memref_squeeze %dma_start3A_1069 : memref<1x200x32xf32, #tpu.memory_space<vmem>> -> memref<200x32xf32, #tpu.memory_space<vmem>>
      %dma_start3A_1071 = arith.constant 0 : i32
      %dma_start3A_1072 = arith.constant 0 : i32
      %dma_start3A_1073 = tpu.memref_slice %arg4[%add3A_1065, %dma_start3A_1071, %dma_start3A_1072] : memref<4096x200x32xf32, #tpu.memory_space<hbm>> -> memref<1x200x32xf32, #tpu.memory_space<hbm>>
      %dma_start3A_1074 = tpu.memref_squeeze %dma_start3A_1073 : memref<1x200x32xf32, #tpu.memory_space<hbm>> -> memref<200x32xf32, #tpu.memory_space<hbm>>
      %dma_start3A_1075 = arith.constant 0 : i32
      %dma_start3A_1076 = arith.constant 0 : i32
      %dma_start3A_1077 = tpu.memref_slice %arg4[%add3A_1065, %dma_start3A_1075, %dma_start3A_1076] : memref<4096x200x32xf32, #tpu.memory_space<hbm>> -> memref<1x200x32xf32, #tpu.memory_space<hbm>>
      %dma_start3A_1078 = tpu.memref_squeeze %dma_start3A_1077 : memref<1x200x32xf32, #tpu.memory_space<hbm>> -> memref<200x32xf32, #tpu.memory_space<hbm>>
      %dma_start3A_1079 = arith.constant 0 : i32
      %dma_start3A_1080 = arith.constant 0 : i32
      %dma_start3A_1081 = tpu.memref_slice %arg6[%dma_start3A_1066, %dma_start3A_1079, %dma_start3A_1080] : memref<8x200x32xf32, #tpu.memory_space<vmem>> -> memref<1x200x32xf32, #tpu.memory_space<vmem>>
      %dma_start3A_1082 = tpu.memref_squeeze %dma_start3A_1081 : memref<1x200x32xf32, #tpu.memory_space<vmem>> -> memref<200x32xf32, #tpu.memory_space<vmem>>
      tpu.enqueue_dma source(%dma_start3A_1082 : memref<200x32xf32, #tpu.memory_space<vmem>>) target(%dma_start3A_1078 : memref<200x32xf32, #tpu.memory_space<hbm>>) target_semaphore(%arg22 : memref<!tpu.dma_semaphore, #tpu.memory_space<semaphore_mem>>)
      %dma_wait3A_1083 = arith.constant 7 : i32
      %dma_wait3A_1084 = arith.constant 0 : i32
      %dma_wait3A_1085 = arith.constant 0 : i32
      %dma_wait3A_1086 = arith.constant 0 : i32
      %dma_wait3A_1087 = tpu.memref_slice %arg6[%dma_wait3A_1083, %dma_wait3A_1085, %dma_wait3A_1086] : memref<8x200x32xf32, #tpu.memory_space<vmem>> -> memref<1x200x32xf32, #tpu.memory_space<vmem>>
      %dma_wait3A_1088 = tpu.memref_squeeze %dma_wait3A_1087 : memref<1x200x32xf32, #tpu.memory_space<vmem>> -> memref<200x32xf32, #tpu.memory_space<vmem>>
      %dma_wait3A_1089 = arith.constant 0 : i32
      %dma_wait3A_1090 = arith.constant 0 : i32
      %dma_wait3A_1091 = tpu.memref_slice %arg4[%dma_wait3A_1084, %dma_wait3A_1089, %dma_wait3A_1090] : memref<4096x200x32xf32, #tpu.memory_space<hbm>> -> memref<1x200x32xf32, #tpu.memory_space<hbm>>
      %dma_wait3A_1092 = tpu.memref_squeeze %dma_wait3A_1091 : memref<1x200x32xf32, #tpu.memory_space<hbm>> -> memref<200x32xf32, #tpu.memory_space<hbm>>
      %dma_wait3A_1093 = arith.constant 0 : i32
      %dma_wait3A_1094 = arith.constant 0 : i32
      %dma_wait3A_1095 = tpu.memref_slice %arg4[%dma_wait3A_1084, %dma_wait3A_1093, %dma_wait3A_1094] : memref<4096x200x32xf32, #tpu.memory_space<hbm>> -> memref<1x200x32xf32, #tpu.memory_space<hbm>>
      %dma_wait3A_1096 = tpu.memref_squeeze %dma_wait3A_1095 : memref<1x200x32xf32, #tpu.memory_space<hbm>> -> memref<200x32xf32, #tpu.memory_space<hbm>>
      %dma_wait3A_1097 = arith.constant 0 : i32
      %dma_wait3A_1098 = arith.constant 0 : i32
      %dma_wait3A_1099 = tpu.memref_slice %arg6[%dma_wait3A_1083, %dma_wait3A_1097, %dma_wait3A_1098] : memref<8x200x32xf32, #tpu.memory_space<vmem>> -> memref<1x200x32xf32, #tpu.memory_space<vmem>>
      %dma_wait3A_1100 = tpu.memref_squeeze %dma_wait3A_1099 : memref<1x200x32xf32, #tpu.memory_space<vmem>> -> memref<200x32xf32, #tpu.memory_space<vmem>>
      tpu.wait_dma2 semaphore(%arg22 : memref<!tpu.dma_semaphore, #tpu.memory_space<semaphore_mem>>) src(%dma_wait3A_1100 : memref<200x32xf32, #tpu.memory_space<vmem>>) dst(%dma_wait3A_1096 : memref<200x32xf32, #tpu.memory_space<hbm>>)
      %add3A_1101 = arith.constant 8 : i32
      %add3A_1102 = arith.addi %mul3A_547, %add3A_1101 : i32
      %add3A_1103 = arith.constant 7 : i32
      %add3A_1104 = arith.addi %add3A_1102, %add3A_1103 : i32
      %dma_start3A_1105 = arith.constant 7 : i32
      %dma_start3A_1106 = arith.constant 0 : i32
      %dma_start3A_1107 = arith.constant 0 : i32
      %dma_start3A_1108 = tpu.memref_slice %arg6[%dma_start3A_1105, %dma_start3A_1106, %dma_start3A_1107] : memref<8x200x32xf32, #tpu.memory_space<vmem>> -> memref<1x200x32xf32, #tpu.memory_space<vmem>>
      %dma_start3A_1109 = tpu.memref_squeeze %dma_start3A_1108 : memref<1x200x32xf32, #tpu.memory_space<vmem>> -> memref<200x32xf32, #tpu.memory_space<vmem>>
      %dma_start3A_1110 = arith.constant 0 : i32
      %dma_start3A_1111 = tpu.memref_slice %arg5[%add3A_1104, %dma_start3A_1110] : memref<128x200xi32, #tpu.memory_space<vmem>> -> memref<1x200xi32, #tpu.memory_space<vmem>>
      %dma_start3A_1112 = tpu.memref_squeeze %dma_start3A_1111 : memref<1x200xi32, #tpu.memory_space<vmem>> -> memref<200xi32, #tpu.memory_space<vmem>>
      %dma_start3A_1113 = arith.constant 0 : i32
      %dma_start3A_1114 = arith.constant 0 : i32
      %dma_start3A_1115 = tpu.memref_slice %arg3[%dma_start3A_1113, %dma_start3A_1114] : memref<1000003x32xf32, #tpu.memory_space<hbm>> -> memref<1000003x32xf32, #tpu.memory_space<hbm>>
      tpu.enqueue_indirect_dma source(%dma_start3A_1115 : memref<1000003x32xf32, #tpu.memory_space<hbm>>) target(%dma_start3A_1109 : memref<200x32xf32, #tpu.memory_space<vmem>>) offsets(%dma_start3A_1112 : memref<200xi32, #tpu.memory_space<vmem>>) semaphore(%arg14 : memref<!tpu.dma_semaphore, #tpu.memory_space<semaphore_mem>>)
    }
    %scan3A_101 = arith.constant 15 : i32
    %dma_wait3A = arith.constant 0 : i32
    %dma_wait3A_102 = arith.constant 0 : i32
    %dma_wait3A_103 = arith.constant 0 : i32
    %dma_wait3A_104 = arith.constant 0 : i32
    %dma_wait3A_105 = tpu.memref_slice %arg6[%dma_wait3A_102, %dma_wait3A_103, %dma_wait3A_104] : memref<8x200x32xf32, #tpu.memory_space<vmem>> -> memref<1x200x32xf32, #tpu.memory_space<vmem>>
    %dma_wait3A_106 = tpu.memref_squeeze %dma_wait3A_105 : memref<1x200x32xf32, #tpu.memory_space<vmem>> -> memref<200x32xf32, #tpu.memory_space<vmem>>
    %dma_wait3A_107 = arith.constant 0 : i32
    %dma_wait3A_108 = arith.constant 0 : i32
    %dma_wait3A_109 = tpu.memref_slice %arg4[%dma_wait3A, %dma_wait3A_107, %dma_wait3A_108] : memref<4096x200x32xf32, #tpu.memory_space<hbm>> -> memref<1x200x32xf32, #tpu.memory_space<hbm>>
    %dma_wait3A_110 = tpu.memref_squeeze %dma_wait3A_109 : memref<1x200x32xf32, #tpu.memory_space<hbm>> -> memref<200x32xf32, #tpu.memory_space<hbm>>
    %dma_wait3A_111 = arith.constant 0 : i32
    %dma_wait3A_112 = arith.constant 0 : i32
    %dma_wait3A_113 = tpu.memref_slice %arg6[%dma_wait3A_102, %dma_wait3A_111, %dma_wait3A_112] : memref<8x200x32xf32, #tpu.memory_space<vmem>> -> memref<1x200x32xf32, #tpu.memory_space<vmem>>
    %dma_wait3A_114 = tpu.memref_squeeze %dma_wait3A_113 : memref<1x200x32xf32, #tpu.memory_space<vmem>> -> memref<200x32xf32, #tpu.memory_space<vmem>>
    %dma_wait3A_115 = arith.constant 0 : i32
    %dma_wait3A_116 = arith.constant 0 : i32
    %dma_wait3A_117 = tpu.memref_slice %arg4[%dma_wait3A, %dma_wait3A_115, %dma_wait3A_116] : memref<4096x200x32xf32, #tpu.memory_space<hbm>> -> memref<1x200x32xf32, #tpu.memory_space<hbm>>
    %dma_wait3A_118 = tpu.memref_squeeze %dma_wait3A_117 : memref<1x200x32xf32, #tpu.memory_space<hbm>> -> memref<200x32xf32, #tpu.memory_space<hbm>>
    tpu.wait_dma2 semaphore(%arg7 : memref<!tpu.dma_semaphore, #tpu.memory_space<semaphore_mem>>) src(%dma_wait3A_118 : memref<200x32xf32, #tpu.memory_space<hbm>>) dst(%dma_wait3A_114 : memref<200x32xf32, #tpu.memory_space<vmem>>)
    %add3A_119 = arith.constant 120 : i32
    %add3A_120 = arith.addi %mul3A_2, %add3A_119 : i32
    %dma_start3A_121 = arith.constant 0 : i32
    %dma_start3A_122 = arith.constant 0 : i32
    %dma_start3A_123 = arith.constant 0 : i32
    %dma_start3A_124 = tpu.memref_slice %arg6[%dma_start3A_121, %dma_start3A_122, %dma_start3A_123] : memref<8x200x32xf32, #tpu.memory_space<vmem>> -> memref<1x200x32xf32, #tpu.memory_space<vmem>>
    %dma_start3A_125 = tpu.memref_squeeze %dma_start3A_124 : memref<1x200x32xf32, #tpu.memory_space<vmem>> -> memref<200x32xf32, #tpu.memory_space<vmem>>
    %dma_start3A_126 = arith.constant 0 : i32
    %dma_start3A_127 = arith.constant 0 : i32
    %dma_start3A_128 = tpu.memref_slice %arg4[%add3A_120, %dma_start3A_126, %dma_start3A_127] : memref<4096x200x32xf32, #tpu.memory_space<hbm>> -> memref<1x200x32xf32, #tpu.memory_space<hbm>>
    %dma_start3A_129 = tpu.memref_squeeze %dma_start3A_128 : memref<1x200x32xf32, #tpu.memory_space<hbm>> -> memref<200x32xf32, #tpu.memory_space<hbm>>
    %dma_start3A_130 = arith.constant 0 : i32
    %dma_start3A_131 = arith.constant 0 : i32
    %dma_start3A_132 = tpu.memref_slice %arg4[%add3A_120, %dma_start3A_130, %dma_start3A_131] : memref<4096x200x32xf32, #tpu.memory_space<hbm>> -> memref<1x200x32xf32, #tpu.memory_space<hbm>>
    %dma_start3A_133 = tpu.memref_squeeze %dma_start3A_132 : memref<1x200x32xf32, #tpu.memory_space<hbm>> -> memref<200x32xf32, #tpu.memory_space<hbm>>
    %dma_start3A_134 = arith.constant 0 : i32
    %dma_start3A_135 = arith.constant 0 : i32
    %dma_start3A_136 = tpu.memref_slice %arg6[%dma_start3A_121, %dma_start3A_134, %dma_start3A_135] : memref<8x200x32xf32, #tpu.memory_space<vmem>> -> memref<1x200x32xf32, #tpu.memory_space<vmem>>
    %dma_start3A_137 = tpu.memref_squeeze %dma_start3A_136 : memref<1x200x32xf32, #tpu.memory_space<vmem>> -> memref<200x32xf32, #tpu.memory_space<vmem>>
    tpu.enqueue_dma source(%dma_start3A_137 : memref<200x32xf32, #tpu.memory_space<vmem>>) target(%dma_start3A_133 : memref<200x32xf32, #tpu.memory_space<hbm>>) target_semaphore(%arg15 : memref<!tpu.dma_semaphore, #tpu.memory_space<semaphore_mem>>)
    %dma_wait3A_138 = arith.constant 0 : i32
    %dma_wait3A_139 = arith.constant 1 : i32
    %dma_wait3A_140 = arith.constant 0 : i32
    %dma_wait3A_141 = arith.constant 0 : i32
    %dma_wait3A_142 = tpu.memref_slice %arg6[%dma_wait3A_139, %dma_wait3A_140, %dma_wait3A_141] : memref<8x200x32xf32, #tpu.memory_space<vmem>> -> memref<1x200x32xf32, #tpu.memory_space<vmem>>
    %dma_wait3A_143 = tpu.memref_squeeze %dma_wait3A_142 : memref<1x200x32xf32, #tpu.memory_space<vmem>> -> memref<200x32xf32, #tpu.memory_space<vmem>>
    %dma_wait3A_144 = arith.constant 0 : i32
    %dma_wait3A_145 = arith.constant 0 : i32
    %dma_wait3A_146 = tpu.memref_slice %arg4[%dma_wait3A_138, %dma_wait3A_144, %dma_wait3A_145] : memref<4096x200x32xf32, #tpu.memory_space<hbm>> -> memref<1x200x32xf32, #tpu.memory_space<hbm>>
    %dma_wait3A_147 = tpu.memref_squeeze %dma_wait3A_146 : memref<1x200x32xf32, #tpu.memory_space<hbm>> -> memref<200x32xf32, #tpu.memory_space<hbm>>
    %dma_wait3A_148 = arith.constant 0 : i32
    %dma_wait3A_149 = arith.constant 0 : i32
    %dma_wait3A_150 = tpu.memref_slice %arg6[%dma_wait3A_139, %dma_wait3A_148, %dma_wait3A_149] : memref<8x200x32xf32, #tpu.memory_space<vmem>> -> memref<1x200x32xf32, #tpu.memory_space<vmem>>
    %dma_wait3A_151 = tpu.memref_squeeze %dma_wait3A_150 : memref<1x200x32xf32, #tpu.memory_space<vmem>> -> memref<200x32xf32, #tpu.memory_space<vmem>>
    %dma_wait3A_152 = arith.constant 0 : i32
    %dma_wait3A_153 = arith.constant 0 : i32
    %dma_wait3A_154 = tpu.memref_slice %arg4[%dma_wait3A_138, %dma_wait3A_152, %dma_wait3A_153] : memref<4096x200x32xf32, #tpu.memory_space<hbm>> -> memref<1x200x32xf32, #tpu.memory_space<hbm>>
    %dma_wait3A_155 = tpu.memref_squeeze %dma_wait3A_154 : memref<1x200x32xf32, #tpu.memory_space<hbm>> -> memref<200x32xf32, #tpu.memory_space<hbm>>
    tpu.wait_dma2 semaphore(%arg8 : memref<!tpu.dma_semaphore, #tpu.memory_space<semaphore_mem>>) src(%dma_wait3A_155 : memref<200x32xf32, #tpu.memory_space<hbm>>) dst(%dma_wait3A_151 : memref<200x32xf32, #tpu.memory_space<vmem>>)
    %add3A_156 = arith.constant 121 : i32
    %add3A_157 = arith.addi %mul3A_2, %add3A_156 : i32
    %dma_start3A_158 = arith.constant 1 : i32
    %dma_start3A_159 = arith.constant 0 : i32
    %dma_start3A_160 = arith.constant 0 : i32
    %dma_start3A_161 = tpu.memref_slice %arg6[%dma_start3A_158, %dma_start3A_159, %dma_start3A_160] : memref<8x200x32xf32, #tpu.memory_space<vmem>> -> memref<1x200x32xf32, #tpu.memory_space<vmem>>
    %dma_start3A_162 = tpu.memref_squeeze %dma_start3A_161 : memref<1x200x32xf32, #tpu.memory_space<vmem>> -> memref<200x32xf32, #tpu.memory_space<vmem>>
    %dma_start3A_163 = arith.constant 0 : i32
    %dma_start3A_164 = arith.constant 0 : i32
    %dma_start3A_165 = tpu.memref_slice %arg4[%add3A_157, %dma_start3A_163, %dma_start3A_164] : memref<4096x200x32xf32, #tpu.memory_space<hbm>> -> memref<1x200x32xf32, #tpu.memory_space<hbm>>
    %dma_start3A_166 = tpu.memref_squeeze %dma_start3A_165 : memref<1x200x32xf32, #tpu.memory_space<hbm>> -> memref<200x32xf32, #tpu.memory_space<hbm>>
    %dma_start3A_167 = arith.constant 0 : i32
    %dma_start3A_168 = arith.constant 0 : i32
    %dma_start3A_169 = tpu.memref_slice %arg4[%add3A_157, %dma_start3A_167, %dma_start3A_168] : memref<4096x200x32xf32, #tpu.memory_space<hbm>> -> memref<1x200x32xf32, #tpu.memory_space<hbm>>
    %dma_start3A_170 = tpu.memref_squeeze %dma_start3A_169 : memref<1x200x32xf32, #tpu.memory_space<hbm>> -> memref<200x32xf32, #tpu.memory_space<hbm>>
    %dma_start3A_171 = arith.constant 0 : i32
    %dma_start3A_172 = arith.constant 0 : i32
    %dma_start3A_173 = tpu.memref_slice %arg6[%dma_start3A_158, %dma_start3A_171, %dma_start3A_172] : memref<8x200x32xf32, #tpu.memory_space<vmem>> -> memref<1x200x32xf32, #tpu.memory_space<vmem>>
    %dma_start3A_174 = tpu.memref_squeeze %dma_start3A_173 : memref<1x200x32xf32, #tpu.memory_space<vmem>> -> memref<200x32xf32, #tpu.memory_space<vmem>>
    tpu.enqueue_dma source(%dma_start3A_174 : memref<200x32xf32, #tpu.memory_space<vmem>>) target(%dma_start3A_170 : memref<200x32xf32, #tpu.memory_space<hbm>>) target_semaphore(%arg16 : memref<!tpu.dma_semaphore, #tpu.memory_space<semaphore_mem>>)
    %dma_wait3A_175 = arith.constant 0 : i32
    %dma_wait3A_176 = arith.constant 2 : i32
    %dma_wait3A_177 = arith.constant 0 : i32
    %dma_wait3A_178 = arith.constant 0 : i32
    %dma_wait3A_179 = tpu.memref_slice %arg6[%dma_wait3A_176, %dma_wait3A_177, %dma_wait3A_178] : memref<8x200x32xf32, #tpu.memory_space<vmem>> -> memref<1x200x32xf32, #tpu.memory_space<vmem>>
    %dma_wait3A_180 = tpu.memref_squeeze %dma_wait3A_179 : memref<1x200x32xf32, #tpu.memory_space<vmem>> -> memref<200x32xf32, #tpu.memory_space<vmem>>
    %dma_wait3A_181 = arith.constant 0 : i32
    %dma_wait3A_182 = arith.constant 0 : i32
    %dma_wait3A_183 = tpu.memref_slice %arg4[%dma_wait3A_175, %dma_wait3A_181, %dma_wait3A_182] : memref<4096x200x32xf32, #tpu.memory_space<hbm>> -> memref<1x200x32xf32, #tpu.memory_space<hbm>>
    %dma_wait3A_184 = tpu.memref_squeeze %dma_wait3A_183 : memref<1x200x32xf32, #tpu.memory_space<hbm>> -> memref<200x32xf32, #tpu.memory_space<hbm>>
    %dma_wait3A_185 = arith.constant 0 : i32
    %dma_wait3A_186 = arith.constant 0 : i32
    %dma_wait3A_187 = tpu.memref_slice %arg6[%dma_wait3A_176, %dma_wait3A_185, %dma_wait3A_186] : memref<8x200x32xf32, #tpu.memory_space<vmem>> -> memref<1x200x32xf32, #tpu.memory_space<vmem>>
    %dma_wait3A_188 = tpu.memref_squeeze %dma_wait3A_187 : memref<1x200x32xf32, #tpu.memory_space<vmem>> -> memref<200x32xf32, #tpu.memory_space<vmem>>
    %dma_wait3A_189 = arith.constant 0 : i32
    %dma_wait3A_190 = arith.constant 0 : i32
    %dma_wait3A_191 = tpu.memref_slice %arg4[%dma_wait3A_175, %dma_wait3A_189, %dma_wait3A_190] : memref<4096x200x32xf32, #tpu.memory_space<hbm>> -> memref<1x200x32xf32, #tpu.memory_space<hbm>>
    %dma_wait3A_192 = tpu.memref_squeeze %dma_wait3A_191 : memref<1x200x32xf32, #tpu.memory_space<hbm>> -> memref<200x32xf32, #tpu.memory_space<hbm>>
    tpu.wait_dma2 semaphore(%arg9 : memref<!tpu.dma_semaphore, #tpu.memory_space<semaphore_mem>>) src(%dma_wait3A_192 : memref<200x32xf32, #tpu.memory_space<hbm>>) dst(%dma_wait3A_188 : memref<200x32xf32, #tpu.memory_space<vmem>>)
    %add3A_193 = arith.constant 122 : i32
    %add3A_194 = arith.addi %mul3A_2, %add3A_193 : i32
    %dma_start3A_195 = arith.constant 2 : i32
    %dma_start3A_196 = arith.constant 0 : i32
    %dma_start3A_197 = arith.constant 0 : i32
    %dma_start3A_198 = tpu.memref_slice %arg6[%dma_start3A_195, %dma_start3A_196, %dma_start3A_197] : memref<8x200x32xf32, #tpu.memory_space<vmem>> -> memref<1x200x32xf32, #tpu.memory_space<vmem>>
    %dma_start3A_199 = tpu.memref_squeeze %dma_start3A_198 : memref<1x200x32xf32, #tpu.memory_space<vmem>> -> memref<200x32xf32, #tpu.memory_space<vmem>>
    %dma_start3A_200 = arith.constant 0 : i32
    %dma_start3A_201 = arith.constant 0 : i32
    %dma_start3A_202 = tpu.memref_slice %arg4[%add3A_194, %dma_start3A_200, %dma_start3A_201] : memref<4096x200x32xf32, #tpu.memory_space<hbm>> -> memref<1x200x32xf32, #tpu.memory_space<hbm>>
    %dma_start3A_203 = tpu.memref_squeeze %dma_start3A_202 : memref<1x200x32xf32, #tpu.memory_space<hbm>> -> memref<200x32xf32, #tpu.memory_space<hbm>>
    %dma_start3A_204 = arith.constant 0 : i32
    %dma_start3A_205 = arith.constant 0 : i32
    %dma_start3A_206 = tpu.memref_slice %arg4[%add3A_194, %dma_start3A_204, %dma_start3A_205] : memref<4096x200x32xf32, #tpu.memory_space<hbm>> -> memref<1x200x32xf32, #tpu.memory_space<hbm>>
    %dma_start3A_207 = tpu.memref_squeeze %dma_start3A_206 : memref<1x200x32xf32, #tpu.memory_space<hbm>> -> memref<200x32xf32, #tpu.memory_space<hbm>>
    %dma_start3A_208 = arith.constant 0 : i32
    %dma_start3A_209 = arith.constant 0 : i32
    %dma_start3A_210 = tpu.memref_slice %arg6[%dma_start3A_195, %dma_start3A_208, %dma_start3A_209] : memref<8x200x32xf32, #tpu.memory_space<vmem>> -> memref<1x200x32xf32, #tpu.memory_space<vmem>>
    %dma_start3A_211 = tpu.memref_squeeze %dma_start3A_210 : memref<1x200x32xf32, #tpu.memory_space<vmem>> -> memref<200x32xf32, #tpu.memory_space<vmem>>
    tpu.enqueue_dma source(%dma_start3A_211 : memref<200x32xf32, #tpu.memory_space<vmem>>) target(%dma_start3A_207 : memref<200x32xf32, #tpu.memory_space<hbm>>) target_semaphore(%arg17 : memref<!tpu.dma_semaphore, #tpu.memory_space<semaphore_mem>>)
    %dma_wait3A_212 = arith.constant 0 : i32
    %dma_wait3A_213 = arith.constant 3 : i32
    %dma_wait3A_214 = arith.constant 0 : i32
    %dma_wait3A_215 = arith.constant 0 : i32
    %dma_wait3A_216 = tpu.memref_slice %arg6[%dma_wait3A_213, %dma_wait3A_214, %dma_wait3A_215] : memref<8x200x32xf32, #tpu.memory_space<vmem>> -> memref<1x200x32xf32, #tpu.memory_space<vmem>>
    %dma_wait3A_217 = tpu.memref_squeeze %dma_wait3A_216 : memref<1x200x32xf32, #tpu.memory_space<vmem>> -> memref<200x32xf32, #tpu.memory_space<vmem>>
    %dma_wait3A_218 = arith.constant 0 : i32
    %dma_wait3A_219 = arith.constant 0 : i32
    %dma_wait3A_220 = tpu.memref_slice %arg4[%dma_wait3A_212, %dma_wait3A_218, %dma_wait3A_219] : memref<4096x200x32xf32, #tpu.memory_space<hbm>> -> memref<1x200x32xf32, #tpu.memory_space<hbm>>
    %dma_wait3A_221 = tpu.memref_squeeze %dma_wait3A_220 : memref<1x200x32xf32, #tpu.memory_space<hbm>> -> memref<200x32xf32, #tpu.memory_space<hbm>>
    %dma_wait3A_222 = arith.constant 0 : i32
    %dma_wait3A_223 = arith.constant 0 : i32
    %dma_wait3A_224 = tpu.memref_slice %arg6[%dma_wait3A_213, %dma_wait3A_222, %dma_wait3A_223] : memref<8x200x32xf32, #tpu.memory_space<vmem>> -> memref<1x200x32xf32, #tpu.memory_space<vmem>>
    %dma_wait3A_225 = tpu.memref_squeeze %dma_wait3A_224 : memref<1x200x32xf32, #tpu.memory_space<vmem>> -> memref<200x32xf32, #tpu.memory_space<vmem>>
    %dma_wait3A_226 = arith.constant 0 : i32
    %dma_wait3A_227 = arith.constant 0 : i32
    %dma_wait3A_228 = tpu.memref_slice %arg4[%dma_wait3A_212, %dma_wait3A_226, %dma_wait3A_227] : memref<4096x200x32xf32, #tpu.memory_space<hbm>> -> memref<1x200x32xf32, #tpu.memory_space<hbm>>
    %dma_wait3A_229 = tpu.memref_squeeze %dma_wait3A_228 : memref<1x200x32xf32, #tpu.memory_space<hbm>> -> memref<200x32xf32, #tpu.memory_space<hbm>>
    tpu.wait_dma2 semaphore(%arg10 : memref<!tpu.dma_semaphore, #tpu.memory_space<semaphore_mem>>) src(%dma_wait3A_229 : memref<200x32xf32, #tpu.memory_space<hbm>>) dst(%dma_wait3A_225 : memref<200x32xf32, #tpu.memory_space<vmem>>)
    %add3A_230 = arith.constant 123 : i32
    %add3A_231 = arith.addi %mul3A_2, %add3A_230 : i32
    %dma_start3A_232 = arith.constant 3 : i32
    %dma_start3A_233 = arith.constant 0 : i32
    %dma_start3A_234 = arith.constant 0 : i32
    %dma_start3A_235 = tpu.memref_slice %arg6[%dma_start3A_232, %dma_start3A_233, %dma_start3A_234] : memref<8x200x32xf32, #tpu.memory_space<vmem>> -> memref<1x200x32xf32, #tpu.memory_space<vmem>>
    %dma_start3A_236 = tpu.memref_squeeze %dma_start3A_235 : memref<1x200x32xf32, #tpu.memory_space<vmem>> -> memref<200x32xf32, #tpu.memory_space<vmem>>
    %dma_start3A_237 = arith.constant 0 : i32
    %dma_start3A_238 = arith.constant 0 : i32
    %dma_start3A_239 = tpu.memref_slice %arg4[%add3A_231, %dma_start3A_237, %dma_start3A_238] : memref<4096x200x32xf32, #tpu.memory_space<hbm>> -> memref<1x200x32xf32, #tpu.memory_space<hbm>>
    %dma_start3A_240 = tpu.memref_squeeze %dma_start3A_239 : memref<1x200x32xf32, #tpu.memory_space<hbm>> -> memref<200x32xf32, #tpu.memory_space<hbm>>
    %dma_start3A_241 = arith.constant 0 : i32
    %dma_start3A_242 = arith.constant 0 : i32
    %dma_start3A_243 = tpu.memref_slice %arg4[%add3A_231, %dma_start3A_241, %dma_start3A_242] : memref<4096x200x32xf32, #tpu.memory_space<hbm>> -> memref<1x200x32xf32, #tpu.memory_space<hbm>>
    %dma_start3A_244 = tpu.memref_squeeze %dma_start3A_243 : memref<1x200x32xf32, #tpu.memory_space<hbm>> -> memref<200x32xf32, #tpu.memory_space<hbm>>
    %dma_start3A_245 = arith.constant 0 : i32
    %dma_start3A_246 = arith.constant 0 : i32
    %dma_start3A_247 = tpu.memref_slice %arg6[%dma_start3A_232, %dma_start3A_245, %dma_start3A_246] : memref<8x200x32xf32, #tpu.memory_space<vmem>> -> memref<1x200x32xf32, #tpu.memory_space<vmem>>
    %dma_start3A_248 = tpu.memref_squeeze %dma_start3A_247 : memref<1x200x32xf32, #tpu.memory_space<vmem>> -> memref<200x32xf32, #tpu.memory_space<vmem>>
    tpu.enqueue_dma source(%dma_start3A_248 : memref<200x32xf32, #tpu.memory_space<vmem>>) target(%dma_start3A_244 : memref<200x32xf32, #tpu.memory_space<hbm>>) target_semaphore(%arg18 : memref<!tpu.dma_semaphore, #tpu.memory_space<semaphore_mem>>)
    %dma_wait3A_249 = arith.constant 0 : i32
    %dma_wait3A_250 = arith.constant 4 : i32
    %dma_wait3A_251 = arith.constant 0 : i32
    %dma_wait3A_252 = arith.constant 0 : i32
    %dma_wait3A_253 = tpu.memref_slice %arg6[%dma_wait3A_250, %dma_wait3A_251, %dma_wait3A_252] : memref<8x200x32xf32, #tpu.memory_space<vmem>> -> memref<1x200x32xf32, #tpu.memory_space<vmem>>
    %dma_wait3A_254 = tpu.memref_squeeze %dma_wait3A_253 : memref<1x200x32xf32, #tpu.memory_space<vmem>> -> memref<200x32xf32, #tpu.memory_space<vmem>>
    %dma_wait3A_255 = arith.constant 0 : i32
    %dma_wait3A_256 = arith.constant 0 : i32
    %dma_wait3A_257 = tpu.memref_slice %arg4[%dma_wait3A_249, %dma_wait3A_255, %dma_wait3A_256] : memref<4096x200x32xf32, #tpu.memory_space<hbm>> -> memref<1x200x32xf32, #tpu.memory_space<hbm>>
    %dma_wait3A_258 = tpu.memref_squeeze %dma_wait3A_257 : memref<1x200x32xf32, #tpu.memory_space<hbm>> -> memref<200x32xf32, #tpu.memory_space<hbm>>
    %dma_wait3A_259 = arith.constant 0 : i32
    %dma_wait3A_260 = arith.constant 0 : i32
    %dma_wait3A_261 = tpu.memref_slice %arg6[%dma_wait3A_250, %dma_wait3A_259, %dma_wait3A_260] : memref<8x200x32xf32, #tpu.memory_space<vmem>> -> memref<1x200x32xf32, #tpu.memory_space<vmem>>
    %dma_wait3A_262 = tpu.memref_squeeze %dma_wait3A_261 : memref<1x200x32xf32, #tpu.memory_space<vmem>> -> memref<200x32xf32, #tpu.memory_space<vmem>>
    %dma_wait3A_263 = arith.constant 0 : i32
    %dma_wait3A_264 = arith.constant 0 : i32
    %dma_wait3A_265 = tpu.memref_slice %arg4[%dma_wait3A_249, %dma_wait3A_263, %dma_wait3A_264] : memref<4096x200x32xf32, #tpu.memory_space<hbm>> -> memref<1x200x32xf32, #tpu.memory_space<hbm>>
    %dma_wait3A_266 = tpu.memref_squeeze %dma_wait3A_265 : memref<1x200x32xf32, #tpu.memory_space<hbm>> -> memref<200x32xf32, #tpu.memory_space<hbm>>
    tpu.wait_dma2 semaphore(%arg11 : memref<!tpu.dma_semaphore, #tpu.memory_space<semaphore_mem>>) src(%dma_wait3A_266 : memref<200x32xf32, #tpu.memory_space<hbm>>) dst(%dma_wait3A_262 : memref<200x32xf32, #tpu.memory_space<vmem>>)
    %add3A_267 = arith.constant 124 : i32
    %add3A_268 = arith.addi %mul3A_2, %add3A_267 : i32
    %dma_start3A_269 = arith.constant 4 : i32
    %dma_start3A_270 = arith.constant 0 : i32
    %dma_start3A_271 = arith.constant 0 : i32
    %dma_start3A_272 = tpu.memref_slice %arg6[%dma_start3A_269, %dma_start3A_270, %dma_start3A_271] : memref<8x200x32xf32, #tpu.memory_space<vmem>> -> memref<1x200x32xf32, #tpu.memory_space<vmem>>
    %dma_start3A_273 = tpu.memref_squeeze %dma_start3A_272 : memref<1x200x32xf32, #tpu.memory_space<vmem>> -> memref<200x32xf32, #tpu.memory_space<vmem>>
    %dma_start3A_274 = arith.constant 0 : i32
    %dma_start3A_275 = arith.constant 0 : i32
    %dma_start3A_276 = tpu.memref_slice %arg4[%add3A_268, %dma_start3A_274, %dma_start3A_275] : memref<4096x200x32xf32, #tpu.memory_space<hbm>> -> memref<1x200x32xf32, #tpu.memory_space<hbm>>
    %dma_start3A_277 = tpu.memref_squeeze %dma_start3A_276 : memref<1x200x32xf32, #tpu.memory_space<hbm>> -> memref<200x32xf32, #tpu.memory_space<hbm>>
    %dma_start3A_278 = arith.constant 0 : i32
    %dma_start3A_279 = arith.constant 0 : i32
    %dma_start3A_280 = tpu.memref_slice %arg4[%add3A_268, %dma_start3A_278, %dma_start3A_279] : memref<4096x200x32xf32, #tpu.memory_space<hbm>> -> memref<1x200x32xf32, #tpu.memory_space<hbm>>
    %dma_start3A_281 = tpu.memref_squeeze %dma_start3A_280 : memref<1x200x32xf32, #tpu.memory_space<hbm>> -> memref<200x32xf32, #tpu.memory_space<hbm>>
    %dma_start3A_282 = arith.constant 0 : i32
    %dma_start3A_283 = arith.constant 0 : i32
    %dma_start3A_284 = tpu.memref_slice %arg6[%dma_start3A_269, %dma_start3A_282, %dma_start3A_283] : memref<8x200x32xf32, #tpu.memory_space<vmem>> -> memref<1x200x32xf32, #tpu.memory_space<vmem>>
    %dma_start3A_285 = tpu.memref_squeeze %dma_start3A_284 : memref<1x200x32xf32, #tpu.memory_space<vmem>> -> memref<200x32xf32, #tpu.memory_space<vmem>>
    tpu.enqueue_dma source(%dma_start3A_285 : memref<200x32xf32, #tpu.memory_space<vmem>>) target(%dma_start3A_281 : memref<200x32xf32, #tpu.memory_space<hbm>>) target_semaphore(%arg19 : memref<!tpu.dma_semaphore, #tpu.memory_space<semaphore_mem>>)
    %dma_wait3A_286 = arith.constant 0 : i32
    %dma_wait3A_287 = arith.constant 5 : i32
    %dma_wait3A_288 = arith.constant 0 : i32
    %dma_wait3A_289 = arith.constant 0 : i32
    %dma_wait3A_290 = tpu.memref_slice %arg6[%dma_wait3A_287, %dma_wait3A_288, %dma_wait3A_289] : memref<8x200x32xf32, #tpu.memory_space<vmem>> -> memref<1x200x32xf32, #tpu.memory_space<vmem>>
    %dma_wait3A_291 = tpu.memref_squeeze %dma_wait3A_290 : memref<1x200x32xf32, #tpu.memory_space<vmem>> -> memref<200x32xf32, #tpu.memory_space<vmem>>
    %dma_wait3A_292 = arith.constant 0 : i32
    %dma_wait3A_293 = arith.constant 0 : i32
    %dma_wait3A_294 = tpu.memref_slice %arg4[%dma_wait3A_286, %dma_wait3A_292, %dma_wait3A_293] : memref<4096x200x32xf32, #tpu.memory_space<hbm>> -> memref<1x200x32xf32, #tpu.memory_space<hbm>>
    %dma_wait3A_295 = tpu.memref_squeeze %dma_wait3A_294 : memref<1x200x32xf32, #tpu.memory_space<hbm>> -> memref<200x32xf32, #tpu.memory_space<hbm>>
    %dma_wait3A_296 = arith.constant 0 : i32
    %dma_wait3A_297 = arith.constant 0 : i32
    %dma_wait3A_298 = tpu.memref_slice %arg6[%dma_wait3A_287, %dma_wait3A_296, %dma_wait3A_297] : memref<8x200x32xf32, #tpu.memory_space<vmem>> -> memref<1x200x32xf32, #tpu.memory_space<vmem>>
    %dma_wait3A_299 = tpu.memref_squeeze %dma_wait3A_298 : memref<1x200x32xf32, #tpu.memory_space<vmem>> -> memref<200x32xf32, #tpu.memory_space<vmem>>
    %dma_wait3A_300 = arith.constant 0 : i32
    %dma_wait3A_301 = arith.constant 0 : i32
    %dma_wait3A_302 = tpu.memref_slice %arg4[%dma_wait3A_286, %dma_wait3A_300, %dma_wait3A_301] : memref<4096x200x32xf32, #tpu.memory_space<hbm>> -> memref<1x200x32xf32, #tpu.memory_space<hbm>>
    %dma_wait3A_303 = tpu.memref_squeeze %dma_wait3A_302 : memref<1x200x32xf32, #tpu.memory_space<hbm>> -> memref<200x32xf32, #tpu.memory_space<hbm>>
    tpu.wait_dma2 semaphore(%arg12 : memref<!tpu.dma_semaphore, #tpu.memory_space<semaphore_mem>>) src(%dma_wait3A_303 : memref<200x32xf32, #tpu.memory_space<hbm>>) dst(%dma_wait3A_299 : memref<200x32xf32, #tpu.memory_space<vmem>>)
    %add3A_304 = arith.constant 125 : i32
    %add3A_305 = arith.addi %mul3A_2, %add3A_304 : i32
    %dma_start3A_306 = arith.constant 5 : i32
    %dma_start3A_307 = arith.constant 0 : i32
    %dma_start3A_308 = arith.constant 0 : i32
    %dma_start3A_309 = tpu.memref_slice %arg6[%dma_start3A_306, %dma_start3A_307, %dma_start3A_308] : memref<8x200x32xf32, #tpu.memory_space<vmem>> -> memref<1x200x32xf32, #tpu.memory_space<vmem>>
    %dma_start3A_310 = tpu.memref_squeeze %dma_start3A_309 : memref<1x200x32xf32, #tpu.memory_space<vmem>> -> memref<200x32xf32, #tpu.memory_space<vmem>>
    %dma_start3A_311 = arith.constant 0 : i32
    %dma_start3A_312 = arith.constant 0 : i32
    %dma_start3A_313 = tpu.memref_slice %arg4[%add3A_305, %dma_start3A_311, %dma_start3A_312] : memref<4096x200x32xf32, #tpu.memory_space<hbm>> -> memref<1x200x32xf32, #tpu.memory_space<hbm>>
    %dma_start3A_314 = tpu.memref_squeeze %dma_start3A_313 : memref<1x200x32xf32, #tpu.memory_space<hbm>> -> memref<200x32xf32, #tpu.memory_space<hbm>>
    %dma_start3A_315 = arith.constant 0 : i32
    %dma_start3A_316 = arith.constant 0 : i32
    %dma_start3A_317 = tpu.memref_slice %arg4[%add3A_305, %dma_start3A_315, %dma_start3A_316] : memref<4096x200x32xf32, #tpu.memory_space<hbm>> -> memref<1x200x32xf32, #tpu.memory_space<hbm>>
    %dma_start3A_318 = tpu.memref_squeeze %dma_start3A_317 : memref<1x200x32xf32, #tpu.memory_space<hbm>> -> memref<200x32xf32, #tpu.memory_space<hbm>>
    %dma_start3A_319 = arith.constant 0 : i32
    %dma_start3A_320 = arith.constant 0 : i32
    %dma_start3A_321 = tpu.memref_slice %arg6[%dma_start3A_306, %dma_start3A_319, %dma_start3A_320] : memref<8x200x32xf32, #tpu.memory_space<vmem>> -> memref<1x200x32xf32, #tpu.memory_space<vmem>>
    %dma_start3A_322 = tpu.memref_squeeze %dma_start3A_321 : memref<1x200x32xf32, #tpu.memory_space<vmem>> -> memref<200x32xf32, #tpu.memory_space<vmem>>
    tpu.enqueue_dma source(%dma_start3A_322 : memref<200x32xf32, #tpu.memory_space<vmem>>) target(%dma_start3A_318 : memref<200x32xf32, #tpu.memory_space<hbm>>) target_semaphore(%arg20 : memref<!tpu.dma_semaphore, #tpu.memory_space<semaphore_mem>>)
    %dma_wait3A_323 = arith.constant 0 : i32
    %dma_wait3A_324 = arith.constant 6 : i32
    %dma_wait3A_325 = arith.constant 0 : i32
    %dma_wait3A_326 = arith.constant 0 : i32
    %dma_wait3A_327 = tpu.memref_slice %arg6[%dma_wait3A_324, %dma_wait3A_325, %dma_wait3A_326] : memref<8x200x32xf32, #tpu.memory_space<vmem>> -> memref<1x200x32xf32, #tpu.memory_space<vmem>>
    %dma_wait3A_328 = tpu.memref_squeeze %dma_wait3A_327 : memref<1x200x32xf32, #tpu.memory_space<vmem>> -> memref<200x32xf32, #tpu.memory_space<vmem>>
    %dma_wait3A_329 = arith.constant 0 : i32
    %dma_wait3A_330 = arith.constant 0 : i32
    %dma_wait3A_331 = tpu.memref_slice %arg4[%dma_wait3A_323, %dma_wait3A_329, %dma_wait3A_330] : memref<4096x200x32xf32, #tpu.memory_space<hbm>> -> memref<1x200x32xf32, #tpu.memory_space<hbm>>
    %dma_wait3A_332 = tpu.memref_squeeze %dma_wait3A_331 : memref<1x200x32xf32, #tpu.memory_space<hbm>> -> memref<200x32xf32, #tpu.memory_space<hbm>>
    %dma_wait3A_333 = arith.constant 0 : i32
    %dma_wait3A_334 = arith.constant 0 : i32
    %dma_wait3A_335 = tpu.memref_slice %arg6[%dma_wait3A_324, %dma_wait3A_333, %dma_wait3A_334] : memref<8x200x32xf32, #tpu.memory_space<vmem>> -> memref<1x200x32xf32, #tpu.memory_space<vmem>>
    %dma_wait3A_336 = tpu.memref_squeeze %dma_wait3A_335 : memref<1x200x32xf32, #tpu.memory_space<vmem>> -> memref<200x32xf32, #tpu.memory_space<vmem>>
    %dma_wait3A_337 = arith.constant 0 : i32
    %dma_wait3A_338 = arith.constant 0 : i32
    %dma_wait3A_339 = tpu.memref_slice %arg4[%dma_wait3A_323, %dma_wait3A_337, %dma_wait3A_338] : memref<4096x200x32xf32, #tpu.memory_space<hbm>> -> memref<1x200x32xf32, #tpu.memory_space<hbm>>
    %dma_wait3A_340 = tpu.memref_squeeze %dma_wait3A_339 : memref<1x200x32xf32, #tpu.memory_space<hbm>> -> memref<200x32xf32, #tpu.memory_space<hbm>>
    tpu.wait_dma2 semaphore(%arg13 : memref<!tpu.dma_semaphore, #tpu.memory_space<semaphore_mem>>) src(%dma_wait3A_340 : memref<200x32xf32, #tpu.memory_space<hbm>>) dst(%dma_wait3A_336 : memref<200x32xf32, #tpu.memory_space<vmem>>)
    %add3A_341 = arith.constant 126 : i32
    %add3A_342 = arith.addi %mul3A_2, %add3A_341 : i32
    %dma_start3A_343 = arith.constant 6 : i32
    %dma_start3A_344 = arith.constant 0 : i32
    %dma_start3A_345 = arith.constant 0 : i32
    %dma_start3A_346 = tpu.memref_slice %arg6[%dma_start3A_343, %dma_start3A_344, %dma_start3A_345] : memref<8x200x32xf32, #tpu.memory_space<vmem>> -> memref<1x200x32xf32, #tpu.memory_space<vmem>>
    %dma_start3A_347 = tpu.memref_squeeze %dma_start3A_346 : memref<1x200x32xf32, #tpu.memory_space<vmem>> -> memref<200x32xf32, #tpu.memory_space<vmem>>
    %dma_start3A_348 = arith.constant 0 : i32
    %dma_start3A_349 = arith.constant 0 : i32
    %dma_start3A_350 = tpu.memref_slice %arg4[%add3A_342, %dma_start3A_348, %dma_start3A_349] : memref<4096x200x32xf32, #tpu.memory_space<hbm>> -> memref<1x200x32xf32, #tpu.memory_space<hbm>>
    %dma_start3A_351 = tpu.memref_squeeze %dma_start3A_350 : memref<1x200x32xf32, #tpu.memory_space<hbm>> -> memref<200x32xf32, #tpu.memory_space<hbm>>
    %dma_start3A_352 = arith.constant 0 : i32
    %dma_start3A_353 = arith.constant 0 : i32
    %dma_start3A_354 = tpu.memref_slice %arg4[%add3A_342, %dma_start3A_352, %dma_start3A_353] : memref<4096x200x32xf32, #tpu.memory_space<hbm>> -> memref<1x200x32xf32, #tpu.memory_space<hbm>>
    %dma_start3A_355 = tpu.memref_squeeze %dma_start3A_354 : memref<1x200x32xf32, #tpu.memory_space<hbm>> -> memref<200x32xf32, #tpu.memory_space<hbm>>
    %dma_start3A_356 = arith.constant 0 : i32
    %dma_start3A_357 = arith.constant 0 : i32
    %dma_start3A_358 = tpu.memref_slice %arg6[%dma_start3A_343, %dma_start3A_356, %dma_start3A_357] : memref<8x200x32xf32, #tpu.memory_space<vmem>> -> memref<1x200x32xf32, #tpu.memory_space<vmem>>
    %dma_start3A_359 = tpu.memref_squeeze %dma_start3A_358 : memref<1x200x32xf32, #tpu.memory_space<vmem>> -> memref<200x32xf32, #tpu.memory_space<vmem>>
    tpu.enqueue_dma source(%dma_start3A_359 : memref<200x32xf32, #tpu.memory_space<vmem>>) target(%dma_start3A_355 : memref<200x32xf32, #tpu.memory_space<hbm>>) target_semaphore(%arg21 : memref<!tpu.dma_semaphore, #tpu.memory_space<semaphore_mem>>)
    %dma_wait3A_360 = arith.constant 0 : i32
    %dma_wait3A_361 = arith.constant 7 : i32
    %dma_wait3A_362 = arith.constant 0 : i32
    %dma_wait3A_363 = arith.constant 0 : i32
    %dma_wait3A_364 = tpu.memref_slice %arg6[%dma_wait3A_361, %dma_wait3A_362, %dma_wait3A_363] : memref<8x200x32xf32, #tpu.memory_space<vmem>> -> memref<1x200x32xf32, #tpu.memory_space<vmem>>
    %dma_wait3A_365 = tpu.memref_squeeze %dma_wait3A_364 : memref<1x200x32xf32, #tpu.memory_space<vmem>> -> memref<200x32xf32, #tpu.memory_space<vmem>>
    %dma_wait3A_366 = arith.constant 0 : i32
    %dma_wait3A_367 = arith.constant 0 : i32
    %dma_wait3A_368 = tpu.memref_slice %arg4[%dma_wait3A_360, %dma_wait3A_366, %dma_wait3A_367] : memref<4096x200x32xf32, #tpu.memory_space<hbm>> -> memref<1x200x32xf32, #tpu.memory_space<hbm>>
    %dma_wait3A_369 = tpu.memref_squeeze %dma_wait3A_368 : memref<1x200x32xf32, #tpu.memory_space<hbm>> -> memref<200x32xf32, #tpu.memory_space<hbm>>
    %dma_wait3A_370 = arith.constant 0 : i32
    %dma_wait3A_371 = arith.constant 0 : i32
    %dma_wait3A_372 = tpu.memref_slice %arg6[%dma_wait3A_361, %dma_wait3A_370, %dma_wait3A_371] : memref<8x200x32xf32, #tpu.memory_space<vmem>> -> memref<1x200x32xf32, #tpu.memory_space<vmem>>
    %dma_wait3A_373 = tpu.memref_squeeze %dma_wait3A_372 : memref<1x200x32xf32, #tpu.memory_space<vmem>> -> memref<200x32xf32, #tpu.memory_space<vmem>>
    %dma_wait3A_374 = arith.constant 0 : i32
    %dma_wait3A_375 = arith.constant 0 : i32
    %dma_wait3A_376 = tpu.memref_slice %arg4[%dma_wait3A_360, %dma_wait3A_374, %dma_wait3A_375] : memref<4096x200x32xf32, #tpu.memory_space<hbm>> -> memref<1x200x32xf32, #tpu.memory_space<hbm>>
    %dma_wait3A_377 = tpu.memref_squeeze %dma_wait3A_376 : memref<1x200x32xf32, #tpu.memory_space<hbm>> -> memref<200x32xf32, #tpu.memory_space<hbm>>
    tpu.wait_dma2 semaphore(%arg14 : memref<!tpu.dma_semaphore, #tpu.memory_space<semaphore_mem>>) src(%dma_wait3A_377 : memref<200x32xf32, #tpu.memory_space<hbm>>) dst(%dma_wait3A_373 : memref<200x32xf32, #tpu.memory_space<vmem>>)
    %add3A_378 = arith.constant 127 : i32
    %add3A_379 = arith.addi %mul3A_2, %add3A_378 : i32
    %dma_start3A_380 = arith.constant 7 : i32
    %dma_start3A_381 = arith.constant 0 : i32
    %dma_start3A_382 = arith.constant 0 : i32
    %dma_start3A_383 = tpu.memref_slice %arg6[%dma_start3A_380, %dma_start3A_381, %dma_start3A_382] : memref<8x200x32xf32, #tpu.memory_space<vmem>> -> memref<1x200x32xf32, #tpu.memory_space<vmem>>
    %dma_start3A_384 = tpu.memref_squeeze %dma_start3A_383 : memref<1x200x32xf32, #tpu.memory_space<vmem>> -> memref<200x32xf32, #tpu.memory_space<vmem>>
    %dma_start3A_385 = arith.constant 0 : i32
    %dma_start3A_386 = arith.constant 0 : i32
    %dma_start3A_387 = tpu.memref_slice %arg4[%add3A_379, %dma_start3A_385, %dma_start3A_386] : memref<4096x200x32xf32, #tpu.memory_space<hbm>> -> memref<1x200x32xf32, #tpu.memory_space<hbm>>
    %dma_start3A_388 = tpu.memref_squeeze %dma_start3A_387 : memref<1x200x32xf32, #tpu.memory_space<hbm>> -> memref<200x32xf32, #tpu.memory_space<hbm>>
    %dma_start3A_389 = arith.constant 0 : i32
    %dma_start3A_390 = arith.constant 0 : i32
    %dma_start3A_391 = tpu.memref_slice %arg4[%add3A_379, %dma_start3A_389, %dma_start3A_390] : memref<4096x200x32xf32, #tpu.memory_space<hbm>> -> memref<1x200x32xf32, #tpu.memory_space<hbm>>
    %dma_start3A_392 = tpu.memref_squeeze %dma_start3A_391 : memref<1x200x32xf32, #tpu.memory_space<hbm>> -> memref<200x32xf32, #tpu.memory_space<hbm>>
    %dma_start3A_393 = arith.constant 0 : i32
    %dma_start3A_394 = arith.constant 0 : i32
    %dma_start3A_395 = tpu.memref_slice %arg6[%dma_start3A_380, %dma_start3A_393, %dma_start3A_394] : memref<8x200x32xf32, #tpu.memory_space<vmem>> -> memref<1x200x32xf32, #tpu.memory_space<vmem>>
    %dma_start3A_396 = tpu.memref_squeeze %dma_start3A_395 : memref<1x200x32xf32, #tpu.memory_space<vmem>> -> memref<200x32xf32, #tpu.memory_space<vmem>>
    tpu.enqueue_dma source(%dma_start3A_396 : memref<200x32xf32, #tpu.memory_space<vmem>>) target(%dma_start3A_392 : memref<200x32xf32, #tpu.memory_space<hbm>>) target_semaphore(%arg22 : memref<!tpu.dma_semaphore, #tpu.memory_space<semaphore_mem>>)
    %dma_wait3A_397 = arith.constant 0 : i32
    %dma_wait3A_398 = arith.constant 0 : i32
    %dma_wait3A_399 = arith.constant 0 : i32
    %dma_wait3A_400 = arith.constant 0 : i32
    %dma_wait3A_401 = tpu.memref_slice %arg6[%dma_wait3A_397, %dma_wait3A_399, %dma_wait3A_400] : memref<8x200x32xf32, #tpu.memory_space<vmem>> -> memref<1x200x32xf32, #tpu.memory_space<vmem>>
    %dma_wait3A_402 = tpu.memref_squeeze %dma_wait3A_401 : memref<1x200x32xf32, #tpu.memory_space<vmem>> -> memref<200x32xf32, #tpu.memory_space<vmem>>
    %dma_wait3A_403 = arith.constant 0 : i32
    %dma_wait3A_404 = arith.constant 0 : i32
    %dma_wait3A_405 = tpu.memref_slice %arg4[%dma_wait3A_398, %dma_wait3A_403, %dma_wait3A_404] : memref<4096x200x32xf32, #tpu.memory_space<hbm>> -> memref<1x200x32xf32, #tpu.memory_space<hbm>>
    %dma_wait3A_406 = tpu.memref_squeeze %dma_wait3A_405 : memref<1x200x32xf32, #tpu.memory_space<hbm>> -> memref<200x32xf32, #tpu.memory_space<hbm>>
    %dma_wait3A_407 = arith.constant 0 : i32
    %dma_wait3A_408 = arith.constant 0 : i32
    %dma_wait3A_409 = tpu.memref_slice %arg4[%dma_wait3A_398, %dma_wait3A_407, %dma_wait3A_408] : memref<4096x200x32xf32, #tpu.memory_space<hbm>> -> memref<1x200x32xf32, #tpu.memory_space<hbm>>
    %dma_wait3A_410 = tpu.memref_squeeze %dma_wait3A_409 : memref<1x200x32xf32, #tpu.memory_space<hbm>> -> memref<200x32xf32, #tpu.memory_space<hbm>>
    %dma_wait3A_411 = arith.constant 0 : i32
    %dma_wait3A_412 = arith.constant 0 : i32
    %dma_wait3A_413 = tpu.memref_slice %arg6[%dma_wait3A_397, %dma_wait3A_411, %dma_wait3A_412] : memref<8x200x32xf32, #tpu.memory_space<vmem>> -> memref<1x200x32xf32, #tpu.memory_space<vmem>>
    %dma_wait3A_414 = tpu.memref_squeeze %dma_wait3A_413 : memref<1x200x32xf32, #tpu.memory_space<vmem>> -> memref<200x32xf32, #tpu.memory_space<vmem>>
    tpu.wait_dma2 semaphore(%arg15 : memref<!tpu.dma_semaphore, #tpu.memory_space<semaphore_mem>>) src(%dma_wait3A_414 : memref<200x32xf32, #tpu.memory_space<vmem>>) dst(%dma_wait3A_410 : memref<200x32xf32, #tpu.memory_space<hbm>>)
    %dma_wait3A_415 = arith.constant 1 : i32
    %dma_wait3A_416 = arith.constant 0 : i32
    %dma_wait3A_417 = arith.constant 0 : i32
    %dma_wait3A_418 = arith.constant 0 : i32
    %dma_wait3A_419 = tpu.memref_slice %arg6[%dma_wait3A_415, %dma_wait3A_417, %dma_wait3A_418] : memref<8x200x32xf32, #tpu.memory_space<vmem>> -> memref<1x200x32xf32, #tpu.memory_space<vmem>>
    %dma_wait3A_420 = tpu.memref_squeeze %dma_wait3A_419 : memref<1x200x32xf32, #tpu.memory_space<vmem>> -> memref<200x32xf32, #tpu.memory_space<vmem>>
    %dma_wait3A_421 = arith.constant 0 : i32
    %dma_wait3A_422 = arith.constant 0 : i32
    %dma_wait3A_423 = tpu.memref_slice %arg4[%dma_wait3A_416, %dma_wait3A_421, %dma_wait3A_422] : memref<4096x200x32xf32, #tpu.memory_space<hbm>> -> memref<1x200x32xf32, #tpu.memory_space<hbm>>
    %dma_wait3A_424 = tpu.memref_squeeze %dma_wait3A_423 : memref<1x200x32xf32, #tpu.memory_space<hbm>> -> memref<200x32xf32, #tpu.memory_space<hbm>>
    %dma_wait3A_425 = arith.constant 0 : i32
    %dma_wait3A_426 = arith.constant 0 : i32
    %dma_wait3A_427 = tpu.memref_slice %arg4[%dma_wait3A_416, %dma_wait3A_425, %dma_wait3A_426] : memref<4096x200x32xf32, #tpu.memory_space<hbm>> -> memref<1x200x32xf32, #tpu.memory_space<hbm>>
    %dma_wait3A_428 = tpu.memref_squeeze %dma_wait3A_427 : memref<1x200x32xf32, #tpu.memory_space<hbm>> -> memref<200x32xf32, #tpu.memory_space<hbm>>
    %dma_wait3A_429 = arith.constant 0 : i32
    %dma_wait3A_430 = arith.constant 0 : i32
    %dma_wait3A_431 = tpu.memref_slice %arg6[%dma_wait3A_415, %dma_wait3A_429, %dma_wait3A_430] : memref<8x200x32xf32, #tpu.memory_space<vmem>> -> memref<1x200x32xf32, #tpu.memory_space<vmem>>
    %dma_wait3A_432 = tpu.memref_squeeze %dma_wait3A_431 : memref<1x200x32xf32, #tpu.memory_space<vmem>> -> memref<200x32xf32, #tpu.memory_space<vmem>>
    tpu.wait_dma2 semaphore(%arg16 : memref<!tpu.dma_semaphore, #tpu.memory_space<semaphore_mem>>) src(%dma_wait3A_432 : memref<200x32xf32, #tpu.memory_space<vmem>>) dst(%dma_wait3A_428 : memref<200x32xf32, #tpu.memory_space<hbm>>)
    %dma_wait3A_433 = arith.constant 2 : i32
    %dma_wait3A_434 = arith.constant 0 : i32
    %dma_wait3A_435 = arith.constant 0 : i32
    %dma_wait3A_436 = arith.constant 0 : i32
    %dma_wait3A_437 = tpu.memref_slice %arg6[%dma_wait3A_433, %dma_wait3A_435, %dma_wait3A_436] : memref<8x200x32xf32, #tpu.memory_space<vmem>> -> memref<1x200x32xf32, #tpu.memory_space<vmem>>
    %dma_wait3A_438 = tpu.memref_squeeze %dma_wait3A_437 : memref<1x200x32xf32, #tpu.memory_space<vmem>> -> memref<200x32xf32, #tpu.memory_space<vmem>>
    %dma_wait3A_439 = arith.constant 0 : i32
    %dma_wait3A_440 = arith.constant 0 : i32
    %dma_wait3A_441 = tpu.memref_slice %arg4[%dma_wait3A_434, %dma_wait3A_439, %dma_wait3A_440] : memref<4096x200x32xf32, #tpu.memory_space<hbm>> -> memref<1x200x32xf32, #tpu.memory_space<hbm>>
    %dma_wait3A_442 = tpu.memref_squeeze %dma_wait3A_441 : memref<1x200x32xf32, #tpu.memory_space<hbm>> -> memref<200x32xf32, #tpu.memory_space<hbm>>
    %dma_wait3A_443 = arith.constant 0 : i32
    %dma_wait3A_444 = arith.constant 0 : i32
    %dma_wait3A_445 = tpu.memref_slice %arg4[%dma_wait3A_434, %dma_wait3A_443, %dma_wait3A_444] : memref<4096x200x32xf32, #tpu.memory_space<hbm>> -> memref<1x200x32xf32, #tpu.memory_space<hbm>>
    %dma_wait3A_446 = tpu.memref_squeeze %dma_wait3A_445 : memref<1x200x32xf32, #tpu.memory_space<hbm>> -> memref<200x32xf32, #tpu.memory_space<hbm>>
    %dma_wait3A_447 = arith.constant 0 : i32
    %dma_wait3A_448 = arith.constant 0 : i32
    %dma_wait3A_449 = tpu.memref_slice %arg6[%dma_wait3A_433, %dma_wait3A_447, %dma_wait3A_448] : memref<8x200x32xf32, #tpu.memory_space<vmem>> -> memref<1x200x32xf32, #tpu.memory_space<vmem>>
    %dma_wait3A_450 = tpu.memref_squeeze %dma_wait3A_449 : memref<1x200x32xf32, #tpu.memory_space<vmem>> -> memref<200x32xf32, #tpu.memory_space<vmem>>
    tpu.wait_dma2 semaphore(%arg17 : memref<!tpu.dma_semaphore, #tpu.memory_space<semaphore_mem>>) src(%dma_wait3A_450 : memref<200x32xf32, #tpu.memory_space<vmem>>) dst(%dma_wait3A_446 : memref<200x32xf32, #tpu.memory_space<hbm>>)
    %dma_wait3A_451 = arith.constant 3 : i32
    %dma_wait3A_452 = arith.constant 0 : i32
    %dma_wait3A_453 = arith.constant 0 : i32
    %dma_wait3A_454 = arith.constant 0 : i32
    %dma_wait3A_455 = tpu.memref_slice %arg6[%dma_wait3A_451, %dma_wait3A_453, %dma_wait3A_454] : memref<8x200x32xf32, #tpu.memory_space<vmem>> -> memref<1x200x32xf32, #tpu.memory_space<vmem>>
    %dma_wait3A_456 = tpu.memref_squeeze %dma_wait3A_455 : memref<1x200x32xf32, #tpu.memory_space<vmem>> -> memref<200x32xf32, #tpu.memory_space<vmem>>
    %dma_wait3A_457 = arith.constant 0 : i32
    %dma_wait3A_458 = arith.constant 0 : i32
    %dma_wait3A_459 = tpu.memref_slice %arg4[%dma_wait3A_452, %dma_wait3A_457, %dma_wait3A_458] : memref<4096x200x32xf32, #tpu.memory_space<hbm>> -> memref<1x200x32xf32, #tpu.memory_space<hbm>>
    %dma_wait3A_460 = tpu.memref_squeeze %dma_wait3A_459 : memref<1x200x32xf32, #tpu.memory_space<hbm>> -> memref<200x32xf32, #tpu.memory_space<hbm>>
    %dma_wait3A_461 = arith.constant 0 : i32
    %dma_wait3A_462 = arith.constant 0 : i32
    %dma_wait3A_463 = tpu.memref_slice %arg4[%dma_wait3A_452, %dma_wait3A_461, %dma_wait3A_462] : memref<4096x200x32xf32, #tpu.memory_space<hbm>> -> memref<1x200x32xf32, #tpu.memory_space<hbm>>
    %dma_wait3A_464 = tpu.memref_squeeze %dma_wait3A_463 : memref<1x200x32xf32, #tpu.memory_space<hbm>> -> memref<200x32xf32, #tpu.memory_space<hbm>>
    %dma_wait3A_465 = arith.constant 0 : i32
    %dma_wait3A_466 = arith.constant 0 : i32
    %dma_wait3A_467 = tpu.memref_slice %arg6[%dma_wait3A_451, %dma_wait3A_465, %dma_wait3A_466] : memref<8x200x32xf32, #tpu.memory_space<vmem>> -> memref<1x200x32xf32, #tpu.memory_space<vmem>>
    %dma_wait3A_468 = tpu.memref_squeeze %dma_wait3A_467 : memref<1x200x32xf32, #tpu.memory_space<vmem>> -> memref<200x32xf32, #tpu.memory_space<vmem>>
    tpu.wait_dma2 semaphore(%arg18 : memref<!tpu.dma_semaphore, #tpu.memory_space<semaphore_mem>>) src(%dma_wait3A_468 : memref<200x32xf32, #tpu.memory_space<vmem>>) dst(%dma_wait3A_464 : memref<200x32xf32, #tpu.memory_space<hbm>>)
    %dma_wait3A_469 = arith.constant 4 : i32
    %dma_wait3A_470 = arith.constant 0 : i32
    %dma_wait3A_471 = arith.constant 0 : i32
    %dma_wait3A_472 = arith.constant 0 : i32
    %dma_wait3A_473 = tpu.memref_slice %arg6[%dma_wait3A_469, %dma_wait3A_471, %dma_wait3A_472] : memref<8x200x32xf32, #tpu.memory_space<vmem>> -> memref<1x200x32xf32, #tpu.memory_space<vmem>>
    %dma_wait3A_474 = tpu.memref_squeeze %dma_wait3A_473 : memref<1x200x32xf32, #tpu.memory_space<vmem>> -> memref<200x32xf32, #tpu.memory_space<vmem>>
    %dma_wait3A_475 = arith.constant 0 : i32
    %dma_wait3A_476 = arith.constant 0 : i32
    %dma_wait3A_477 = tpu.memref_slice %arg4[%dma_wait3A_470, %dma_wait3A_475, %dma_wait3A_476] : memref<4096x200x32xf32, #tpu.memory_space<hbm>> -> memref<1x200x32xf32, #tpu.memory_space<hbm>>
    %dma_wait3A_478 = tpu.memref_squeeze %dma_wait3A_477 : memref<1x200x32xf32, #tpu.memory_space<hbm>> -> memref<200x32xf32, #tpu.memory_space<hbm>>
    %dma_wait3A_479 = arith.constant 0 : i32
    %dma_wait3A_480 = arith.constant 0 : i32
    %dma_wait3A_481 = tpu.memref_slice %arg4[%dma_wait3A_470, %dma_wait3A_479, %dma_wait3A_480] : memref<4096x200x32xf32, #tpu.memory_space<hbm>> -> memref<1x200x32xf32, #tpu.memory_space<hbm>>
    %dma_wait3A_482 = tpu.memref_squeeze %dma_wait3A_481 : memref<1x200x32xf32, #tpu.memory_space<hbm>> -> memref<200x32xf32, #tpu.memory_space<hbm>>
    %dma_wait3A_483 = arith.constant 0 : i32
    %dma_wait3A_484 = arith.constant 0 : i32
    %dma_wait3A_485 = tpu.memref_slice %arg6[%dma_wait3A_469, %dma_wait3A_483, %dma_wait3A_484] : memref<8x200x32xf32, #tpu.memory_space<vmem>> -> memref<1x200x32xf32, #tpu.memory_space<vmem>>
    %dma_wait3A_486 = tpu.memref_squeeze %dma_wait3A_485 : memref<1x200x32xf32, #tpu.memory_space<vmem>> -> memref<200x32xf32, #tpu.memory_space<vmem>>
    tpu.wait_dma2 semaphore(%arg19 : memref<!tpu.dma_semaphore, #tpu.memory_space<semaphore_mem>>) src(%dma_wait3A_486 : memref<200x32xf32, #tpu.memory_space<vmem>>) dst(%dma_wait3A_482 : memref<200x32xf32, #tpu.memory_space<hbm>>)
    %dma_wait3A_487 = arith.constant 5 : i32
    %dma_wait3A_488 = arith.constant 0 : i32
    %dma_wait3A_489 = arith.constant 0 : i32
    %dma_wait3A_490 = arith.constant 0 : i32
    %dma_wait3A_491 = tpu.memref_slice %arg6[%dma_wait3A_487, %dma_wait3A_489, %dma_wait3A_490] : memref<8x200x32xf32, #tpu.memory_space<vmem>> -> memref<1x200x32xf32, #tpu.memory_space<vmem>>
    %dma_wait3A_492 = tpu.memref_squeeze %dma_wait3A_491 : memref<1x200x32xf32, #tpu.memory_space<vmem>> -> memref<200x32xf32, #tpu.memory_space<vmem>>
    %dma_wait3A_493 = arith.constant 0 : i32
    %dma_wait3A_494 = arith.constant 0 : i32
    %dma_wait3A_495 = tpu.memref_slice %arg4[%dma_wait3A_488, %dma_wait3A_493, %dma_wait3A_494] : memref<4096x200x32xf32, #tpu.memory_space<hbm>> -> memref<1x200x32xf32, #tpu.memory_space<hbm>>
    %dma_wait3A_496 = tpu.memref_squeeze %dma_wait3A_495 : memref<1x200x32xf32, #tpu.memory_space<hbm>> -> memref<200x32xf32, #tpu.memory_space<hbm>>
    %dma_wait3A_497 = arith.constant 0 : i32
    %dma_wait3A_498 = arith.constant 0 : i32
    %dma_wait3A_499 = tpu.memref_slice %arg4[%dma_wait3A_488, %dma_wait3A_497, %dma_wait3A_498] : memref<4096x200x32xf32, #tpu.memory_space<hbm>> -> memref<1x200x32xf32, #tpu.memory_space<hbm>>
    %dma_wait3A_500 = tpu.memref_squeeze %dma_wait3A_499 : memref<1x200x32xf32, #tpu.memory_space<hbm>> -> memref<200x32xf32, #tpu.memory_space<hbm>>
    %dma_wait3A_501 = arith.constant 0 : i32
    %dma_wait3A_502 = arith.constant 0 : i32
    %dma_wait3A_503 = tpu.memref_slice %arg6[%dma_wait3A_487, %dma_wait3A_501, %dma_wait3A_502] : memref<8x200x32xf32, #tpu.memory_space<vmem>> -> memref<1x200x32xf32, #tpu.memory_space<vmem>>
    %dma_wait3A_504 = tpu.memref_squeeze %dma_wait3A_503 : memref<1x200x32xf32, #tpu.memory_space<vmem>> -> memref<200x32xf32, #tpu.memory_space<vmem>>
    tpu.wait_dma2 semaphore(%arg20 : memref<!tpu.dma_semaphore, #tpu.memory_space<semaphore_mem>>) src(%dma_wait3A_504 : memref<200x32xf32, #tpu.memory_space<vmem>>) dst(%dma_wait3A_500 : memref<200x32xf32, #tpu.memory_space<hbm>>)
    %dma_wait3A_505 = arith.constant 6 : i32
    %dma_wait3A_506 = arith.constant 0 : i32
    %dma_wait3A_507 = arith.constant 0 : i32
    %dma_wait3A_508 = arith.constant 0 : i32
    %dma_wait3A_509 = tpu.memref_slice %arg6[%dma_wait3A_505, %dma_wait3A_507, %dma_wait3A_508] : memref<8x200x32xf32, #tpu.memory_space<vmem>> -> memref<1x200x32xf32, #tpu.memory_space<vmem>>
    %dma_wait3A_510 = tpu.memref_squeeze %dma_wait3A_509 : memref<1x200x32xf32, #tpu.memory_space<vmem>> -> memref<200x32xf32, #tpu.memory_space<vmem>>
    %dma_wait3A_511 = arith.constant 0 : i32
    %dma_wait3A_512 = arith.constant 0 : i32
    %dma_wait3A_513 = tpu.memref_slice %arg4[%dma_wait3A_506, %dma_wait3A_511, %dma_wait3A_512] : memref<4096x200x32xf32, #tpu.memory_space<hbm>> -> memref<1x200x32xf32, #tpu.memory_space<hbm>>
    %dma_wait3A_514 = tpu.memref_squeeze %dma_wait3A_513 : memref<1x200x32xf32, #tpu.memory_space<hbm>> -> memref<200x32xf32, #tpu.memory_space<hbm>>
    %dma_wait3A_515 = arith.constant 0 : i32
    %dma_wait3A_516 = arith.constant 0 : i32
    %dma_wait3A_517 = tpu.memref_slice %arg4[%dma_wait3A_506, %dma_wait3A_515, %dma_wait3A_516] : memref<4096x200x32xf32, #tpu.memory_space<hbm>> -> memref<1x200x32xf32, #tpu.memory_space<hbm>>
    %dma_wait3A_518 = tpu.memref_squeeze %dma_wait3A_517 : memref<1x200x32xf32, #tpu.memory_space<hbm>> -> memref<200x32xf32, #tpu.memory_space<hbm>>
    %dma_wait3A_519 = arith.constant 0 : i32
    %dma_wait3A_520 = arith.constant 0 : i32
    %dma_wait3A_521 = tpu.memref_slice %arg6[%dma_wait3A_505, %dma_wait3A_519, %dma_wait3A_520] : memref<8x200x32xf32, #tpu.memory_space<vmem>> -> memref<1x200x32xf32, #tpu.memory_space<vmem>>
    %dma_wait3A_522 = tpu.memref_squeeze %dma_wait3A_521 : memref<1x200x32xf32, #tpu.memory_space<vmem>> -> memref<200x32xf32, #tpu.memory_space<vmem>>
    tpu.wait_dma2 semaphore(%arg21 : memref<!tpu.dma_semaphore, #tpu.memory_space<semaphore_mem>>) src(%dma_wait3A_522 : memref<200x32xf32, #tpu.memory_space<vmem>>) dst(%dma_wait3A_518 : memref<200x32xf32, #tpu.memory_space<hbm>>)
    %dma_wait3A_523 = arith.constant 7 : i32
    %dma_wait3A_524 = arith.constant 0 : i32
    %dma_wait3A_525 = arith.constant 0 : i32
    %dma_wait3A_526 = arith.constant 0 : i32
    %dma_wait3A_527 = tpu.memref_slice %arg6[%dma_wait3A_523, %dma_wait3A_525, %dma_wait3A_526] : memref<8x200x32xf32, #tpu.memory_space<vmem>> -> memref<1x200x32xf32, #tpu.memory_space<vmem>>
    %dma_wait3A_528 = tpu.memref_squeeze %dma_wait3A_527 : memref<1x200x32xf32, #tpu.memory_space<vmem>> -> memref<200x32xf32, #tpu.memory_space<vmem>>
    %dma_wait3A_529 = arith.constant 0 : i32
    %dma_wait3A_530 = arith.constant 0 : i32
    %dma_wait3A_531 = tpu.memref_slice %arg4[%dma_wait3A_524, %dma_wait3A_529, %dma_wait3A_530] : memref<4096x200x32xf32, #tpu.memory_space<hbm>> -> memref<1x200x32xf32, #tpu.memory_space<hbm>>
    %dma_wait3A_532 = tpu.memref_squeeze %dma_wait3A_531 : memref<1x200x32xf32, #tpu.memory_space<hbm>> -> memref<200x32xf32, #tpu.memory_space<hbm>>
    %dma_wait3A_533 = arith.constant 0 : i32
    %dma_wait3A_534 = arith.constant 0 : i32
    %dma_wait3A_535 = tpu.memref_slice %arg4[%dma_wait3A_524, %dma_wait3A_533, %dma_wait3A_534] : memref<4096x200x32xf32, #tpu.memory_space<hbm>> -> memref<1x200x32xf32, #tpu.memory_space<hbm>>
    %dma_wait3A_536 = tpu.memref_squeeze %dma_wait3A_535 : memref<1x200x32xf32, #tpu.memory_space<hbm>> -> memref<200x32xf32, #tpu.memory_space<hbm>>
    %dma_wait3A_537 = arith.constant 0 : i32
    %dma_wait3A_538 = arith.constant 0 : i32
    %dma_wait3A_539 = tpu.memref_slice %arg6[%dma_wait3A_523, %dma_wait3A_537, %dma_wait3A_538] : memref<8x200x32xf32, #tpu.memory_space<vmem>> -> memref<1x200x32xf32, #tpu.memory_space<vmem>>
    %dma_wait3A_540 = tpu.memref_squeeze %dma_wait3A_539 : memref<1x200x32xf32, #tpu.memory_space<vmem>> -> memref<200x32xf32, #tpu.memory_space<vmem>>
    tpu.wait_dma2 semaphore(%arg22 : memref<!tpu.dma_semaphore, #tpu.memory_space<semaphore_mem>>) src(%dma_wait3A_540 : memref<200x32xf32, #tpu.memory_space<vmem>>) dst(%dma_wait3A_536 : memref<200x32xf32, #tpu.memory_space<hbm>>)
    return
  }
}

</mosaic_0001>

<sc_bundles>
// kernel: kernel.3.cloned.1.call-start
scs
__scs_entry_jumppad:
0x0: {  	(pc) =	sbr.rel $0x88, $3  }
0x1: {  	(tag) =	ssettag $0x0;
	lr =	simm.s32 $0x1  }
0x2: {  	[smem:$0x3F9F] =	sst lr;
	_ =	strace $0xD0000000  }
0x3: {  	_ = 	snop  }
0x4: {  	_ = 	snop  }
0x5: {  	_ = 	snop  }
0x6: {  	_ = 	snop  }
0x7: {  	_ = 	snop  }
__scs_overlays_trampoline_lowered:
0x8: {  	[smem:$0x3FAE] =	sst s0  }
0x9: {  	[smem:$0x3FAF] =	sst s1  }
0xa: {  	[smem:$0x3FB0] =	sst s2  }
0xb: {  	[smem:$0x3FB1] =	sst s3  }
0xc: {  	[smem:$0x3FB2] =	sst s4  }
0xd: {  	[smem:$0x3FB3] =	sst s5  }
0xe: {  	[smem:$0x3FB4] =	sst s6  }
0xf: {  	[smem:$0x3FB5] =	sst s7  }
0x10: {  	[smem:$0x3FB6] =	sst s8  }
0x11: {  	[smem:$0x3FB7] =	sst s9;
	s0 =	simm.s32 @!p0 $0x0  }
0x12: {  	s1 =	sld [smem:$0x3F9D];
	s0 =	simm.s32 @p0 $0x1  }
0x13: {  	[smem:$0x3FB8] =	sst s0;
	s0 =	simm.s32 @!p1 $0x0  }
0x14: {  	s2 =	sld [smem:$0x3F9C];
	s0 =	simm.s32 @p1 $0x1  }
0x15: {  	[smem:$0x3FB9] =	sst s0;
	s0 =	simm.s32 @!p2 $0x0  }
0x16: {  	s3 =	sld [smem:$0x3FDB];
	s0 =	simm.s32 @p2 $0x1  }
0x17: {  	s4 =	simm.s32 $0x1BF5;
	[smem:$0x3FBB] =	sst s0  }
0x18: {  	s0 =	sld [smem:$0x3F9E];
	_ =	swait.ge [sflag:s4], $0x0  }
0x19: {  	s7 =	sld [smem:$0x3F9F]  }
0x1a: {  	s8 =	sadd.s32 $0xFFFFE003, lr  }
0x1b: {  	s9 =	sadd.s32 $0xFFFFFEF7, lr;
	s5 =	simm.s32 $0xFFFFFFFF;
	p2 =	slt.u32 s8, $0xFFFFF086  }
0x1c: {  	p1 =	slt.u32 s9, $0xF7A;
	s5 =	simm.s32 @!p2 $0x0  }
0x1d: {  	s5 =	simm.s32 @p1 $0x1;
	p0 =	seq.s32 s7, s2  }
0x1e: {  	s7 =	smul.u32 @!p0 $0xF7A, s2;
	p2 =	seq.s32 @!p0 s5, $0x0  }
0x1f: {  	s9 =	smul.u32 $0xF7A, s1;
	s8 =	simm.s32 @!p0 $0x1BF5;
	p2 =	por !p2, p0  }
0x20: {  	[sflag:s8] =	ssyncset.s32 @!p0 $0xFFFFF086;
	s6 =	sadd.s32 @!p0 s3, s7;
	s7 =	simm.s32 @!p0 $0x108  }
0x21: {  	s3 =	sadd.s32 s3, s9;
	s6 =	sadd.s32 @!p0 $0x88, s6;
	s7 =	simm.s32 @p2 $0x1082  }
0x22: {  	[simem:s7], [sflag:s8] =	dma.local @!p0 [hbm:s6], $0xF7A  }
0x23: {  	s9 =	sor.u32 $0xD0000000, s2;
	s6 =	simm.s32 $0x108;
	_ =	swait.ge @!p0 [sflag:s8], $0x0  }
0x24: {  	s3 =	sadd.s32 $0x88, s3;
	s6 =	simm.s32 @!p1 $0x1082;
	[sflag:s4] =	ssyncset.s32 $0xFFFFF086  }
0x25: {  	[simem:s6], [sflag:s4] =	dma.local [hbm:s3], $0xF7A  }
0x26: {  	[smem:$0x3F9F] =	sst s1;
	(tag) =	ssettag s2;
	_ =	strace s9  }
0x27: {  	s1 =	sld [smem:$0x3FAF]  }
0x28: {  	s2 =	sld [smem:$0x3FB0]  }
0x29: {  	s4 =	sld [smem:$0x3FB2]  }
0x2a: {  	p0 =	seq.s32 s5, $0x0;
	s5 =	sld [smem:$0x3FB3]  }
0x2b: {  	s6 =	sld [smem:$0x3FB4]  }
0x2c: {  	s7 =	sld [smem:$0x3FB5]  }
0x2d: {  	s3 =	simm.s32 $0x108;
	s8 =	sld [smem:$0x3FB6]  }
0x2e: {  	s3 =	simm.s32 @!p0 $0x1082;
	s9 =	sld [smem:$0x3FB7]  }
0x2f: {  	lr =	sadd.s32 s0, s3;
	s0 =	sld [smem:$0x3FAE]  }
0x30: {  	s3 =	sld [smem:$0x3FB1]  }
0x31: {  	[smem:$0x3FBA] =	sst s10  }
0x32: {  	s10 =	sld [smem:$0x3FB8];
	_ =	sdelay $0x3  }
0x33: {  	p0 =	seq.s32 s10, $0x1;
	s10 =	sld [smem:$0x3FBA];
	_ =	sdelay $0x3  }
0x34: {  	[smem:$0x3FBA] =	sst s10  }
0x35: {  	s10 =	sld [smem:$0x3FB9];
	_ =	sdelay $0x3  }
0x36: {  	p1 =	seq.s32 s10, $0x1;
	s10 =	sld [smem:$0x3FBA];
	_ =	sdelay $0x3  }
0x37: {  	[smem:$0x3FBA] =	sst s10  }
0x38: {  	s10 =	sld [smem:$0x3FBB]  }
0x39: {  	_ = 	snop;
	(pc) =	sbr.ind lr, $3  }
0x3a: {  	_ = 	snop  }
0x3b: {  	_ = 	snop  }
0x3c: {  	p2 =	seq.s32 s10, $0x1;
	s10 =	sld [smem:$0x3FBA]  }
0x3d: {  	_ =	shalt  }
0x3e: {  	_ =	shalt  }
0x3f: {  	_ =	shalt  }
0x40: {  	_ =	shalt  }
0x41: {  	_ =	shalt  }
0x42: {  	_ =	shalt  }
0x43: {  	_ =	shalt  }
0x44: {  	_ =	shalt  }
0x45: {  	_ =	shalt  }
0x46: {  	_ =	shalt  }
0x47: {  	_ =	shalt  }
0x48: {  	_ =	shalt  }
0x49: {  	_ =	shalt  }
0x4a: {  	_ =	shalt  }
0x4b: {  	_ =	shalt  }
0x4c: {  	_ =	shalt  }
0x4d: {  	_ =	shalt  }
0x4e: {  	_ =	shalt  }
0x4f: {  	_ =	shalt  }
0x50: {  	_ =	shalt  }
0x51: {  	_ =	shalt  }
0x52: {  	_ =	shalt  }
0x53: {  	_ =	shalt  }
0x54: {  	_ =	shalt  }
0x55: {  	_ =	shalt  }
0x56: {  	_ =	shalt  }
0x57: {  	_ =	shalt  }
0x58: {  	_ =	shalt  }
0x59: {  	_ =	shalt  }
0x5a: {  	_ =	shalt  }
0x5b: {  	_ =	shalt  }
0x5c: {  	_ =	shalt  }
0x5d: {  	_ =	shalt  }
0x5e: {  	_ =	shalt  }
0x5f: {  	_ =	shalt  }
0x60: {  	_ =	shalt  }
0x61: {  	_ =	shalt  }
0x62: {  	_ =	shalt  }
0x63: {  	_ =	shalt  }
0x64: {  	_ =	shalt  }
0x65: {  	_ =	shalt  }
0x66: {  	_ =	shalt  }
0x67: {  	_ =	shalt  }
0x68: {  	_ =	shalt  }
0x69: {  	_ =	shalt  }
0x6a: {  	_ =	shalt  }
0x6b: {  	_ =	shalt  }
0x6c: {  	_ =	shalt  }
0x6d: {  	_ =	shalt  }
0x6e: {  	_ =	shalt  }
0x6f: {  	_ =	shalt  }
0x70: {  	_ =	shalt  }
0x71: {  	_ =	shalt  }
0x72: {  	_ =	shalt  }
0x73: {  	_ =	shalt  }
0x74: {  	_ =	shalt  }
0x75: {  	_ =	shalt  }
0x76: {  	_ =	shalt  }
0x77: {  	_ =	shalt  }
0x78: {  	_ =	shalt  }
0x79: {  	_ =	shalt  }
0x7a: {  	_ =	shalt  }
0x7b: {  	_ =	shalt  }
0x7c: {  	_ =	shalt  }
0x7d: {  	_ =	shalt  }
0x7e: {  	_ =	shalt  }
0x7f: {  	_ =	shalt  }
0x80: {  	_ =	shalt  }
0x81: {  	_ =	shalt  }
0x82: {  	_ =	shalt  }
0x83: {  	_ =	shalt  }
0x84: {  	_ =	shalt  }
0x85: {  	_ =	shalt  }
0x86: {  	_ =	shalt  }
0x87: {  	_ =	shalt  }
.Lfunc_end0:
.L_simem_size_0:
called_computation.1_lowered:
.L_overlay_start_0:
0x88: {  	s2 =	sld [smem:$0x3FD9]  }
0x89: {  	s3 =	sld [smem:$0x3FFE];
	_ =	sdelay $0x1  }
0x8a: {  	s1 =	srdreg.scid  }
0x8b: {  	s0 =	sand.u32 $0x1, s1  }
0x8c: {  	s17 =	sshll.u32 s0, $0xA;
	s2 =	sadd.s32 s3, s2  }
0x8d: {  	s2 =	sadd.s32 s2, s17  }
0x8e: {  	[smem:$0x3FC6] =	sst s2  }
0x8f: {  	_ = 	snop  }
0x90: {  	s2 =	sld [smem:$0x3FD0];
	(tm) =	ssettm $0x1  }
0x91: {  	s18 =	sld [smem:$0x3FFB];
	_ =	sdelay $0x3  }
0x92: {  	_ =	strace s18  }
0x93: {  	s3 =	sld [smem:$0x3FFC];
	_ =	sdelay $0x3  }
0x94: {  	_ =	strace s3  }
0x95: {  	s3 =	sld [smem:$0x3FFD];
	_ =	sdelay $0x3  }
0x96: {  	_ =	strace s3  }
0x97: {  	_ =	strace $0x8FFFFFFF  }
0x98: {  	s19 =	sld [smem:$0x3FDB];
	_ =	sdelay $0x1  }
0x99: {  	s4 =	simm.s32 $_scs_section_size  }
0x9a: {  	s5 =	simm.s32 $_size__tile_overlayer_lowered;
	s6 =	simm.s32 $_tile_overlayer_lowered  }
0x9b: {  	s22 =	simm.s32 $0x1BFF;
	s21 =	sshll.u32 s6, $0x1;
	s3 =	sadd.s32 s4, s19  }
0x9c: {  	s7 =	simm.s32 $0x0;
	s20 =	sshll.u32 s5, $0x1;
	s5 =	sadd.s32 s21, s3  }
0x9d: {  	[timem:s7], [sflag:s22] =	dma.local [hbm:s5], s20  }
0x9e: {  	_ =	swait.ge [sflag:s22], s20  }
0x9f: {  	s4 =	ssub.s32 $0x0, s20;
	[sflag:s22] =	ssyncset.done $0x0  }
0xa0: {  	[sflag:s22] =	ssyncadd.s32 s4;
	_ =	sdelay $0x1  }
0xa1: {  	s23 =	simm.s32 $0x1B8B  }
0xa2: {  	_ =	swait.ge [sflag:s23], $0x1  }
0xa3: {  	[sflag:s23] =	ssyncset.done $0x0  }
0xa4: {  	s25 =	simm.s32 $0x1B8E;
	s24 =	sld [smem:$0x3FFE];
	[sflag:s23] =	ssyncadd.s32 $0xFFFFFFFF  }
0xa5: {  	s26 =	simm.s32 $execute0_lowered;
	[smem:$0x3FD2] =	sst s25  }
0xa6: {  	s5 =	sshll.u32 s26, $0x1;
	_ =	strace $0x80000046;
	[dreg:$0x1] =	wrdreg $0xFFFFFFFF  }
0xa7: {  	s28 =	simm.s32 $_size_execute0_lowered;
	s3 =	sadd.s32 s3, s5;
	[dreg:$0x0] =	wrdreg $0x0  }
0xa8: {  	s5 =	sshll.u32 s28, $0x1;
	[dreg:$0x2] =	wrdreg s3  }
0xa9: {  	[dreg:$0x3] =	wrdreg s5  }
0xaa: {  	[dreg:$0x4] =	wrdreg $0xC0  }
0xab: {  	_ =	task [dreg:s7], $0x5FFFF  }
0xac: {  	[dreg:$0x1] =	wrdreg $0xFFFFFFFF  }
0xad: {  	[dreg:$0x0] =	wrdreg $0x60  }
0xae: {  	[dreg:$0x2] =	wrdreg s24  }
0xaf: {  	[dreg:$0x3] =	wrdreg s2  }
0xb0: {  	[dreg:$0x4] =	wrdreg $0x9  }
0xb1: {  	_ =	task.clear_ibuf [dreg:s7], $0x5FFFF;
	_ =	strace $0x90000046  }
0xb2: {  	s29 =	simm.s32 $0x9;
	_ =	strace $0x80000048  }
0xb3: {  	_ =	swait.ge [sflag:s29], $0x1  }
0xb4: {  	[sflag:s29] =	ssyncadd.s32 $0xFFFFFFFF  }
0xb5: {  	_ =	strace $0x90000048  }
0xb6: {  	_ =	sfence  }
0xb7: {  	s30 =	sld [smem:$0x0];
	_ =	sdelay $0x2  }
0xb8: {  	s31 =	sshll.u32 s1, $0xD;
	s1 =	sshrl.u32 s1, $0x2  }
0xb9: {  	s3 =	sand.u32 $0x4000, s31;
	s1 =	sadd.s32 s1, s30  }
0xba: {  	s0 =	sor.u32 s3, s0;
	s1 =	sshll.u32 s1, $0x11  }
0xbb: {  	s0 =	sor.u32 s1, s0  }
0xbc: {  	s0 =	sadd.s32 $0x8F2B, s0  }
0xbd: {  	[sflag:s0] =	ssyncadd.remote.s32 $0x1  }
0xbe: {  	_ =	sfence.sel $0xFFFF  }
0xbf: {  	[dreg:$0x0] =	wrdreg $0xFFFFFFFF;
	(pc) =	sbr.abs _section_cstart, $3  }
0xc0: {  	[dreg:$0x1] =	wrdreg $0xFFFFFFFF  }
0xc1: {  	_ =	task.clear_ibuf [dreg:s7], $0x2FFFF;
	_ =	strace $0x9FFFFFFF  }
0xc2: {  	(tm) =	ssettm $0x7FFFFFFF  }
0xc3: {  	_ =	shalt  }
tec
execute0_lowered:
.L_overlay_start_1:
0x0: {  	(tag) =	ssettag $0x1  }
0x1: {  	s0 =	srdreg.scid;
	s1 =	rddreg [dreg:$0x0]  }
0x2: {  	s9 =	stileid.u32;
	s4 =	rddreg [dreg:$0x1];
	s15 =	simm.s32 $0xC8  }
0x3: {  	s28 =	simm.s32 $0xFA00;
	s30 =	simm.s32 $0x11300;
	s31 =	simm.s32 $0x1  }
0x4: {  	s29 =	simm.s32 $0x5;
	s10 =	simm.s32 $0x10;
	s0 =	sand.u32 $0x1, s0  }
0x5: {  	s12 =	simm.s32 $0x0;
	s2 =	sshll.u32 s9, $0x8;
	s3 =	sshll.u32 s0, $0x7  }
0x6: {  	s19 =	smul.u32 $0x32000, s9;
	s9 =	simm.s32 $0x8;
	s3 =	sor.u32 s3, s2  }
0x7: {  	s6 =	ssub.s32 $0x2, s0;
	s2 =	simm.s32 $0x0;
	s5 =	smul.u32 $0x19, s3  }
0x8: {  	s7 =	sshrl.u32 s6, $0x1;
	[smem:$0x7FF] =	sst s2;
	s3 =	smul.u32 $0x1900, s3  }
0x9: {  	s16 =	ssub.s32 s6, s7;
	_ =	strace $0x80000047;
	s5 =	sadd.s32 s5, s1  }
0xa: {  	s8 =	sshrl.u32 s3, $0x3;
	s3 =	sadd.s32 $0xF43000, s1;
	s1 =	smax.u32 s16, $0x1  }
0xb: {  	s17 =	sadd.s32 s4, s8;
	s5 =	sadd.s32 $0xA00, s5;
	[dreg:$0xd] =	wrdreg s1  }
0xc: {  	s0 =	smul.u32 $0x19000, s0;
	[dreg:$0x4] =	wrdreg s5;
	s18 =	sadd.s32 $0x17700, s17  }
0xd: {  	s6 =	simm.s32 $0xE;
	s20 =	sadd.s32 $0x17A20, s17;
	[dreg:$0x5] =	wrdreg s18  }
0xe: {  	s7 =	simm.s32 $0x7;
	s21 =	sadd.s32 $0x17D40, s17;
	[dreg:$0x6] =	wrdreg s20  }
0xf: {  	s16 =	simm.s32 $0x6400;
	s22 =	sadd.s32 $0x18060, s17;
	[dreg:$0x7] =	wrdreg s21  }
0x10: {  	s4 =	sadd.s32 s19, s4;
	s23 =	sadd.s32 $0x18380, s17;
	[dreg:$0x8] =	wrdreg s22  }
0x11: {  	s19 =	simm.s32 $0x9600;
	s24 =	sadd.s32 $0x186A0, s17;
	[dreg:$0x9] =	wrdreg s23  }
0x12: {  	s1 =	simm.s32 $0x9;
	s25 =	sadd.s32 $0x189C0, s17;
	[dreg:$0xa] =	wrdreg s24  }
0x13: {  	s8 =	simm.s32 $0xF;
	s26 =	sadd.s32 $0x18CE0, s17;
	[dreg:$0xb] =	wrdreg s25  }
0x14: {  	s0 =	sadd.s32 s0, s4;
	s17 =	simm.s32 $0x7D00;
	[dreg:$0xc] =	wrdreg s26  }
0x15: {  	s4 =	simm.s32 $0xD;
	s5 =	simm.s32 $0x6;
	[dreg:$0x3] =	wrdreg s0  }
0x16: {  	s21 =	simm.s32 $0xAF00;
	s23 =	simm.s32 $0xC800;
	s25 =	simm.s32 $0xE100  }
0x17: {  	s0 =	simm.s32 $0x2;
	s18 =	simm.s32 $0xA;
	s20 =	simm.s32 $0x3  }
0x18: {  	s22 =	simm.s32 $0xB;
	s24 =	simm.s32 $0x4;
	s26 =	simm.s32 $0xC  }
.LBB2_1:
0x19: {  	[dreg:$0xe] =	wrdreg s12  }
0x1a: {  	s11 =	rddreg [dreg:$0x4];
	s13 =	simm.s32 $0x11  }
0x1b: {  	[tilespmem:s2], [sflag:$0x11] =	stream.linear.gather [hbm4b:s11+s2], $0x6400, $0x38;
	[tilespmem:$0x12C00] =	vst v63  }
0x1c: {  	_ =	swait.ge [sflag:s13], $0x6400  }
0x1d: {  	[sflag:s13] =	ssyncset.done $0x0  }
0x1e: {  	[sflag:s13] =	ssyncadd.s32 $0xFFFF9C00  }
0x1f: {  	[tilespmem:s16], [sflag:$0x1] =	stream.indirect.gather [hbm4b:s3+s15], $0x20, s2, s15, $0xb8;
	[tilespmem:$0x12C00] =	vst v63  }
0x20: {  	_ = 	snop  }
0x21: {  	[tilespmem:s17], [sflag:$0x2] =	stream.indirect.gather [hbm4b:s3+s15], $0x20, s15, s15, $0xb8;
	[tilespmem:$0x12C00] =	vst v63  }
0x22: {  	s14 =	simm.s32 $0x190  }
0x23: {  	[tilespmem:s19], [sflag:$0x3] =	stream.indirect.gather [hbm4b:s3+s15], $0x20, s14, s15, $0xb8;
	[tilespmem:$0x12C00] =	vst v63  }
0x24: {  	s12 =	simm.s32 $0x258  }
0x25: {  	[tilespmem:s21], [sflag:$0x4] =	stream.indirect.gather [hbm4b:s3+s15], $0x20, s12, s15, $0xb8;
	[tilespmem:$0x12C00] =	vst v63  }
0x26: {  	s13 =	simm.s32 $0x320  }
0x27: {  	[tilespmem:s23], [sflag:$0x5] =	stream.indirect.gather [hbm4b:s3+s15], $0x20, s13, s15, $0xb8;
	[tilespmem:$0x12C00] =	vst v63  }
0x28: {  	s14 =	simm.s32 $0x3E8  }
0x29: {  	[tilespmem:s25], [sflag:$0x6] =	stream.indirect.gather [hbm4b:s3+s15], $0x20, s14, s15, $0xb8;
	[tilespmem:$0x12C00] =	vst v63  }
0x2a: {  	s12 =	simm.s32 $0x4B0  }
0x2b: {  	[tilespmem:s28], [sflag:$0x7] =	stream.indirect.gather [hbm4b:s3+s15], $0x20, s12, s15, $0xb8;
	[tilespmem:$0x12C00] =	vst v63  }
0x2c: {  	s13 =	simm.s32 $0x578  }
0x2d: {  	[tilespmem:s30], [sflag:$0x8] =	stream.indirect.gather [hbm4b:s3+s15], $0x20, s13, s15, $0xb8;
	[tilespmem:$0x12C00] =	vst v63  }
0x2e: {  	_ =	swait.ge [sflag:s31], $0x1900  }
0x2f: {  	s14 =	rddreg [dreg:$0x3];
	[sflag:s31] =	ssyncset.done $0x0  }
0x30: {  	[sflag:s31] =	ssyncadd.s32 $0xFFFFE700;
	s12 =	sadd.s32 $0x0, s14  }
0x31: {  	[hbm4b:s12+s2] =	stream.linear.scatter [tilespmem:s16], [sflag:$0x9], $0x1900, $0x38;
	[tilespmem:$0x12C00] =	vst v63  }
0x32: {  	_ =	swait.ge [sflag:s1], $0x1900  }
0x33: {  	[sflag:s1] =	ssyncset.done $0x0  }
0x34: {  	s13 =	simm.s32 $0x640;
	[sflag:s1] =	ssyncadd.s32 $0xFFFFE700  }
0x35: {  	[tilespmem:s16], [sflag:$0x1] =	stream.indirect.gather [hbm4b:s3+s15], $0x20, s13, s15, $0xb8;
	[tilespmem:$0x12C00] =	vst v63  }
0x36: {  	_ =	swait.ge [sflag:s0], $0x1900  }
0x37: {  	[sflag:s0] =	ssyncset.done $0x0  }
0x38: {  	s11 =	sadd.s32 $0x320, s12;
	[sflag:s0] =	ssyncadd.s32 $0xFFFFE700  }
0x39: {  	[hbm4b:s11+s2] =	stream.linear.scatter [tilespmem:s17], [sflag:$0xA], $0x1900, $0x38;
	[tilespmem:$0x12C00] =	vst v63  }
0x3a: {  	_ =	swait.ge [sflag:s18], $0x1900  }
0x3b: {  	[sflag:s18] =	ssyncset.done $0x0  }
0x3c: {  	s14 =	simm.s32 $0x708;
	[sflag:s18] =	ssyncadd.s32 $0xFFFFE700  }
0x3d: {  	[tilespmem:s17], [sflag:$0x2] =	stream.indirect.gather [hbm4b:s3+s15], $0x20, s14, s15, $0xb8;
	[tilespmem:$0x12C00] =	vst v63  }
0x3e: {  	_ =	swait.ge [sflag:s20], $0x1900  }
0x3f: {  	[sflag:s20] =	ssyncset.done $0x0  }
0x40: {  	s11 =	sadd.s32 $0x640, s12;
	[sflag:s20] =	ssyncadd.s32 $0xFFFFE700  }
0x41: {  	[hbm4b:s11+s2] =	stream.linear.scatter [tilespmem:s19], [sflag:$0xB], $0x1900, $0x38;
	[tilespmem:$0x12C00] =	vst v63  }
0x42: {  	_ =	swait.ge [sflag:s22], $0x1900  }
0x43: {  	[sflag:s22] =	ssyncset.done $0x0  }
0x44: {  	s14 =	simm.s32 $0x7D0;
	[sflag:s22] =	ssyncadd.s32 $0xFFFFE700  }
0x45: {  	[tilespmem:s19], [sflag:$0x3] =	stream.indirect.gather [hbm4b:s3+s15], $0x20, s14, s15, $0xb8;
	[tilespmem:$0x12C00] =	vst v63  }
0x46: {  	_ =	swait.ge [sflag:s24], $0x1900  }
0x47: {  	[sflag:s24] =	ssyncset.done $0x0  }
0x48: {  	s11 =	sadd.s32 $0x960, s12;
	[sflag:s24] =	ssyncadd.s32 $0xFFFFE700  }
0x49: {  	[hbm4b:s11+s2] =	stream.linear.scatter [tilespmem:s21], [sflag:$0xC], $0x1900, $0x38;
	[tilespmem:$0x12C00] =	vst v63  }
0x4a: {  	_ =	swait.ge [sflag:s26], $0x1900  }
0x4b: {  	[sflag:s26] =	ssyncset.done $0x0  }
0x4c: {  	s14 =	simm.s32 $0x898;
	[sflag:s26] =	ssyncadd.s32 $0xFFFFE700  }
0x4d: {  	[tilespmem:s21], [sflag:$0x4] =	stream.indirect.gather [hbm4b:s3+s15], $0x20, s14, s15, $0xb8;
	[tilespmem:$0x12C00] =	vst v63  }
0x4e: {  	_ =	swait.ge [sflag:s29], $0x1900  }
0x4f: {  	[sflag:s29] =	ssyncset.done $0x0  }
0x50: {  	s11 =	sadd.s32 $0xC80, s12;
	[sflag:s29] =	ssyncadd.s32 $0xFFFFE700  }
0x51: {  	[hbm4b:s11+s2] =	stream.linear.scatter [tilespmem:s23], [sflag:$0xD], $0x1900, $0x38;
	[tilespmem:$0x12C00] =	vst v63  }
0x52: {  	_ =	swait.ge [sflag:s4], $0x1900  }
0x53: {  	[sflag:s4] =	ssyncset.done $0x0  }
0x54: {  	s14 =	simm.s32 $0x960;
	[sflag:s4] =	ssyncadd.s32 $0xFFFFE700  }
0x55: {  	[tilespmem:s23], [sflag:$0x5] =	stream.indirect.gather [hbm4b:s3+s15], $0x20, s14, s15, $0xb8;
	[tilespmem:$0x12C00] =	vst v63  }
0x56: {  	_ =	swait.ge [sflag:s5], $0x1900  }
0x57: {  	[sflag:s5] =	ssyncset.done $0x0  }
0x58: {  	s11 =	sadd.s32 $0xFA0, s12;
	[sflag:s5] =	ssyncadd.s32 $0xFFFFE700  }
0x59: {  	[hbm4b:s11+s2] =	stream.linear.scatter [tilespmem:s25], [sflag:$0xE], $0x1900, $0x38;
	[tilespmem:$0x12C00] =	vst v63  }
0x5a: {  	_ =	swait.ge [sflag:s6], $0x1900  }
0x5b: {  	[sflag:s6] =	ssyncset.done $0x0  }
0x5c: {  	s14 =	simm.s32 $0xA28;
	[sflag:s6] =	ssyncadd.s32 $0xFFFFE700  }
0x5d: {  	[tilespmem:s25], [sflag:$0x6] =	stream.indirect.gather [hbm4b:s3+s15], $0x20, s14, s15, $0xb8;
	[tilespmem:$0x12C00] =	vst v63  }
0x5e: {  	_ =	swait.ge [sflag:s7], $0x1900  }
0x5f: {  	[sflag:s7] =	ssyncset.done $0x0  }
0x60: {  	s11 =	sadd.s32 $0x12C0, s12;
	[sflag:s7] =	ssyncadd.s32 $0xFFFFE700  }
0x61: {  	[hbm4b:s11+s2] =	stream.linear.scatter [tilespmem:s28], [sflag:$0xF], $0x1900, $0x38;
	[tilespmem:$0x12C00] =	vst v63  }
0x62: {  	_ =	swait.ge [sflag:s8], $0x1900  }
0x63: {  	[sflag:s8] =	ssyncset.done $0x0  }
0x64: {  	s14 =	simm.s32 $0xAF0;
	[sflag:s8] =	ssyncadd.s32 $0xFFFFE700  }
0x65: {  	[tilespmem:s28], [sflag:$0x7] =	stream.indirect.gather [hbm4b:s3+s15], $0x20, s14, s15, $0xb8;
	[tilespmem:$0x12C00] =	vst v63  }
0x66: {  	_ =	swait.ge [sflag:s9], $0x1900  }
0x67: {  	[sflag:s9] =	ssyncset.done $0x0  }
0x68: {  	s12 =	sadd.s32 $0x15E0, s12;
	[sflag:s9] =	ssyncadd.s32 $0xFFFFE700  }
0x69: {  	[hbm4b:s12+s2] =	stream.linear.scatter [tilespmem:s30], [sflag:$0x10], $0x1900, $0x38;
	[tilespmem:$0x12C00] =	vst v63  }
0x6a: {  	_ =	swait.ge [sflag:s10], $0x1900  }
0x6b: {  	[sflag:s10] =	ssyncset.done $0x0  }
0x6c: {  	s13 =	simm.s32 $0xBB8;
	s12 =	simm.s32 $0x1900;
	[sflag:s10] =	ssyncadd.s32 $0xFFFFE700  }
.LBB2_2:
0x6d: {  	[tilespmem:s30], [sflag:$0x8] =	stream.indirect.gather [hbm4b:s3+s15], $0x20, s13, s15, $0xb8;
	[tilespmem:$0x12C00] =	vst v63  }
0x6e: {  	_ =	swait.ge [sflag:s31], $0x1900  }
0x6f: {  	s11 =	smov.u32 s12;
	s14 =	rddreg [dreg:$0x3];
	[sflag:s31] =	ssyncset.done $0x0  }
0x70: {  	[sflag:s31] =	ssyncadd.s32 $0xFFFFE700;
	s14 =	sadd.s32 s11, s14  }
0x71: {  	[hbm4b:s14+s2] =	stream.linear.scatter [tilespmem:s16], [sflag:$0x9], $0x1900, $0x38;
	[tilespmem:$0x12C00] =	vst v63  }
0x72: {  	_ =	swait.ge [sflag:s1], $0x1900  }
0x73: {  	s13 =	sshra.s32 s11, $0x2;
	[sflag:s1] =	ssyncset.done $0x0  }
0x74: {  	s11 =	sadd.s32 $0x640, s13;
	[sflag:s1] =	ssyncadd.s32 $0xFFFFE700  }
0x75: {  	[tilespmem:s16], [sflag:$0x1] =	stream.indirect.gather [hbm4b:s3+s15], $0x20, s11, s15, $0xb8;
	[tilespmem:$0x12C00] =	vst v63  }
0x76: {  	_ =	swait.ge [sflag:s0], $0x1900  }
0x77: {  	[sflag:s0] =	ssyncset.done $0x0  }
0x78: {  	s11 =	sadd.s32 $0x320, s14;
	[sflag:s0] =	ssyncadd.s32 $0xFFFFE700  }
0x79: {  	[hbm4b:s11+s2] =	stream.linear.scatter [tilespmem:s17], [sflag:$0xA], $0x1900, $0x38;
	[tilespmem:$0x12C00] =	vst v63  }
0x7a: {  	_ =	swait.ge [sflag:s18], $0x1900  }
0x7b: {  	[sflag:s18] =	ssyncset.done $0x0  }
0x7c: {  	s11 =	sadd.s32 $0x708, s13;
	[sflag:s18] =	ssyncadd.s32 $0xFFFFE700  }
0x7d: {  	[tilespmem:s17], [sflag:$0x2] =	stream.indirect.gather [hbm4b:s3+s15], $0x20, s11, s15, $0xb8;
	[tilespmem:$0x12C00] =	vst v63  }
0x7e: {  	_ =	swait.ge [sflag:s20], $0x1900  }
0x7f: {  	[sflag:s20] =	ssyncset.done $0x0  }
0x80: {  	s11 =	sadd.s32 $0x640, s14;
	[sflag:s20] =	ssyncadd.s32 $0xFFFFE700  }
0x81: {  	[hbm4b:s11+s2] =	stream.linear.scatter [tilespmem:s19], [sflag:$0xB], $0x1900, $0x38;
	[tilespmem:$0x12C00] =	vst v63  }
0x82: {  	_ =	swait.ge [sflag:s22], $0x1900  }
0x83: {  	[sflag:s22] =	ssyncset.done $0x0  }
0x84: {  	s11 =	sadd.s32 $0x7D0, s13;
	[sflag:s22] =	ssyncadd.s32 $0xFFFFE700  }
0x85: {  	[tilespmem:s19], [sflag:$0x3] =	stream.indirect.gather [hbm4b:s3+s15], $0x20, s11, s15, $0xb8;
	[tilespmem:$0x12C00] =	vst v63  }
0x86: {  	_ =	swait.ge [sflag:s24], $0x1900  }
0x87: {  	[sflag:s24] =	ssyncset.done $0x0  }
0x88: {  	s11 =	sadd.s32 $0x960, s14;
	[sflag:s24] =	ssyncadd.s32 $0xFFFFE700  }
0x89: {  	[hbm4b:s11+s2] =	stream.linear.scatter [tilespmem:s21], [sflag:$0xC], $0x1900, $0x38;
	[tilespmem:$0x12C00] =	vst v63  }
0x8a: {  	_ =	swait.ge [sflag:s26], $0x1900  }
0x8b: {  	[sflag:s26] =	ssyncset.done $0x0  }
0x8c: {  	s11 =	sadd.s32 $0x898, s13;
	[sflag:s26] =	ssyncadd.s32 $0xFFFFE700  }
0x8d: {  	[tilespmem:s21], [sflag:$0x4] =	stream.indirect.gather [hbm4b:s3+s15], $0x20, s11, s15, $0xb8;
	[tilespmem:$0x12C00] =	vst v63  }
0x8e: {  	_ =	swait.ge [sflag:s29], $0x1900  }
0x8f: {  	[sflag:s29] =	ssyncset.done $0x0  }
0x90: {  	s11 =	sadd.s32 $0xC80, s14;
	[sflag:s29] =	ssyncadd.s32 $0xFFFFE700  }
0x91: {  	[hbm4b:s11+s2] =	stream.linear.scatter [tilespmem:s23], [sflag:$0xD], $0x1900, $0x38;
	[tilespmem:$0x12C00] =	vst v63  }
0x92: {  	_ =	swait.ge [sflag:s4], $0x1900  }
0x93: {  	[sflag:s4] =	ssyncset.done $0x0  }
0x94: {  	s11 =	sadd.s32 $0x960, s13;
	[sflag:s4] =	ssyncadd.s32 $0xFFFFE700  }
0x95: {  	[tilespmem:s23], [sflag:$0x5] =	stream.indirect.gather [hbm4b:s3+s15], $0x20, s11, s15, $0xb8;
	[tilespmem:$0x12C00] =	vst v63  }
0x96: {  	_ =	swait.ge [sflag:s5], $0x1900  }
0x97: {  	[sflag:s5] =	ssyncset.done $0x0  }
0x98: {  	s11 =	sadd.s32 $0xFA0, s14;
	[sflag:s5] =	ssyncadd.s32 $0xFFFFE700  }
0x99: {  	[hbm4b:s11+s2] =	stream.linear.scatter [tilespmem:s25], [sflag:$0xE], $0x1900, $0x38;
	[tilespmem:$0x12C00] =	vst v63  }
0x9a: {  	_ =	swait.ge [sflag:s6], $0x1900  }
0x9b: {  	[sflag:s6] =	ssyncset.done $0x0  }
0x9c: {  	s11 =	sadd.s32 $0xA28, s13;
	[sflag:s6] =	ssyncadd.s32 $0xFFFFE700  }
0x9d: {  	[tilespmem:s25], [sflag:$0x6] =	stream.indirect.gather [hbm4b:s3+s15], $0x20, s11, s15, $0xb8;
	[tilespmem:$0x12C00] =	vst v63  }
0x9e: {  	_ =	swait.ge [sflag:s7], $0x1900  }
0x9f: {  	[sflag:s7] =	ssyncset.done $0x0  }
0xa0: {  	s11 =	sadd.s32 $0x12C0, s14;
	[sflag:s7] =	ssyncadd.s32 $0xFFFFE700  }
0xa1: {  	[hbm4b:s11+s2] =	stream.linear.scatter [tilespmem:s28], [sflag:$0xF], $0x1900, $0x38;
	[tilespmem:$0x12C00] =	vst v63  }
0xa2: {  	_ =	swait.ge [sflag:s8], $0x1900  }
0xa3: {  	[sflag:s8] =	ssyncset.done $0x0  }
0xa4: {  	s11 =	sadd.s32 $0xAF0, s13;
	[sflag:s8] =	ssyncadd.s32 $0xFFFFE700  }
0xa5: {  	[tilespmem:s28], [sflag:$0x7] =	stream.indirect.gather [hbm4b:s3+s15], $0x20, s11, s15, $0xb8;
	[tilespmem:$0x12C00] =	vst v63  }
0xa6: {  	_ =	swait.ge [sflag:s9], $0x1900  }
0xa7: {  	p0 =	sne.s32 s12, $0x15E00;
	[sflag:s9] =	ssyncset.done $0x0  }
.Ltmp0:
0xa8: {  	s14 =	sadd.s32 $0x15E0, s14;
	[sflag:s9] =	ssyncadd.s32 $0xFFFFE700;
	(pc) =	sbr.rel @p0 .LBB2_2-.Ltmp0, $4  }
0xa9: {  	[hbm4b:s14+s2] =	stream.linear.scatter [tilespmem:s30], [sflag:$0x10], $0x1900, $0x38;
	[tilespmem:$0x12C00] =	vst v63  }
0xaa: {  	_ =	swait.ge [sflag:s10], $0x1900  }
0xab: {  	[sflag:s10] =	ssyncset.done $0x0  }
0xac: {  	s12 =	sadd.s32 $0x1900, s12;
	s13 =	sadd.s32 $0xBB8, s13;
	[sflag:s10] =	ssyncadd.s32 $0xFFFFE700  }
0xad: {  	[tilespmem:s30], [sflag:$0x8] =	stream.indirect.gather [hbm4b:s3+s15], $0x20, s13, s15, $0xb8;
	[tilespmem:$0x12C00] =	vst v63  }
0xae: {  	_ =	swait.ge [sflag:s31], $0x1900  }
0xaf: {  	[sflag:s31] =	ssyncset.done $0x0  }
0xb0: {  	s11 =	rddreg [dreg:$0x5];
	[sflag:s31] =	ssyncadd.s32 $0xFFFFE700  }
0xb1: {  	[hbm4b:s11+s2] =	stream.linear.scatter [tilespmem:s16], [sflag:$0x9], $0x1900, $0x38;
	[tilespmem:$0x12C00] =	vst v63  }
0xb2: {  	_ =	swait.ge [sflag:s0], $0x1900  }
0xb3: {  	[sflag:s0] =	ssyncset.done $0x0  }
0xb4: {  	s13 =	rddreg [dreg:$0x6];
	[sflag:s0] =	ssyncadd.s32 $0xFFFFE700  }
0xb5: {  	[hbm4b:s13+s2] =	stream.linear.scatter [tilespmem:s17], [sflag:$0xA], $0x1900, $0x38;
	[tilespmem:$0x12C00] =	vst v63  }
0xb6: {  	_ =	swait.ge [sflag:s20], $0x1900  }
0xb7: {  	[sflag:s20] =	ssyncset.done $0x0  }
0xb8: {  	s14 =	rddreg [dreg:$0x7];
	[sflag:s20] =	ssyncadd.s32 $0xFFFFE700  }
0xb9: {  	[hbm4b:s14+s2] =	stream.linear.scatter [tilespmem:s19], [sflag:$0xB], $0x1900, $0x38;
	[tilespmem:$0x12C00] =	vst v63  }
0xba: {  	_ =	swait.ge [sflag:s24], $0x1900  }
0xbb: {  	[sflag:s24] =	ssyncset.done $0x0  }
0xbc: {  	s12 =	rddreg [dreg:$0x8];
	[sflag:s24] =	ssyncadd.s32 $0xFFFFE700  }
0xbd: {  	[hbm4b:s12+s2] =	stream.linear.scatter [tilespmem:s21], [sflag:$0xC], $0x1900, $0x38;
	[tilespmem:$0x12C00] =	vst v63  }
0xbe: {  	_ =	swait.ge [sflag:s29], $0x1900  }
0xbf: {  	[sflag:s29] =	ssyncset.done $0x0  }
0xc0: {  	s13 =	rddreg [dreg:$0x9];
	[sflag:s29] =	ssyncadd.s32 $0xFFFFE700  }
0xc1: {  	[hbm4b:s13+s2] =	stream.linear.scatter [tilespmem:s23], [sflag:$0xD], $0x1900, $0x38;
	[tilespmem:$0x12C00] =	vst v63  }
0xc2: {  	_ =	swait.ge [sflag:s5], $0x1900  }
0xc3: {  	[sflag:s5] =	ssyncset.done $0x0  }
0xc4: {  	s14 =	rddreg [dreg:$0xa];
	[sflag:s5] =	ssyncadd.s32 $0xFFFFE700  }
0xc5: {  	[hbm4b:s14+s2] =	stream.linear.scatter [tilespmem:s25], [sflag:$0xE], $0x1900, $0x38;
	[tilespmem:$0x12C00] =	vst v63  }
0xc6: {  	_ =	swait.ge [sflag:s7], $0x1900  }
0xc7: {  	[sflag:s7] =	ssyncset.done $0x0  }
0xc8: {  	s12 =	rddreg [dreg:$0xb];
	[sflag:s7] =	ssyncadd.s32 $0xFFFFE700  }
0xc9: {  	[hbm4b:s12+s2] =	stream.linear.scatter [tilespmem:s28], [sflag:$0xF], $0x1900, $0x38;
	[tilespmem:$0x12C00] =	vst v63  }
0xca: {  	_ =	swait.ge [sflag:s9], $0x1900  }
0xcb: {  	[sflag:s9] =	ssyncset.done $0x0  }
0xcc: {  	s13 =	rddreg [dreg:$0xc];
	[sflag:s9] =	ssyncadd.s32 $0xFFFFE700  }
0xcd: {  	[hbm4b:s13+s2] =	stream.linear.scatter [tilespmem:s30], [sflag:$0x10], $0x1900, $0x38;
	[tilespmem:$0x12C00] =	vst v63  }
0xce: {  	_ =	swait.ge [sflag:s1], $0x1900  }
0xcf: {  	[sflag:s1] =	ssyncset.done $0x0  }
0xd0: {  	[sflag:s1] =	ssyncadd.s32 $0xFFFFE700  }
0xd1: {  	_ =	swait.ge [sflag:s18], $0x1900  }
0xd2: {  	[sflag:s18] =	ssyncset.done $0x0  }
0xd3: {  	[sflag:s18] =	ssyncadd.s32 $0xFFFFE700  }
0xd4: {  	_ =	swait.ge [sflag:s22], $0x1900  }
0xd5: {  	[sflag:s22] =	ssyncset.done $0x0  }
0xd6: {  	[sflag:s22] =	ssyncadd.s32 $0xFFFFE700  }
0xd7: {  	_ =	swait.ge [sflag:s26], $0x1900  }
0xd8: {  	[sflag:s26] =	ssyncset.done $0x0  }
0xd9: {  	[sflag:s26] =	ssyncadd.s32 $0xFFFFE700  }
0xda: {  	_ =	swait.ge [sflag:s4], $0x1900  }
0xdb: {  	[sflag:s4] =	ssyncset.done $0x0  }
0xdc: {  	[sflag:s4] =	ssyncadd.s32 $0xFFFFE700  }
0xdd: {  	_ =	swait.ge [sflag:s6], $0x1900  }
0xde: {  	[sflag:s6] =	ssyncset.done $0x0  }
0xdf: {  	[sflag:s6] =	ssyncadd.s32 $0xFFFFE700  }
0xe0: {  	_ =	swait.ge [sflag:s8], $0x1900  }
0xe1: {  	[sflag:s8] =	ssyncset.done $0x0  }
0xe2: {  	[sflag:s8] =	ssyncadd.s32 $0xFFFFE700  }
0xe3: {  	_ =	swait.ge [sflag:s10], $0x1900  }
0xe4: {  	s12 =	rddreg [dreg:$0xe]  }
0xe5: {  	s14 =	rddreg [dreg:$0xd];
	s12 =	sadd.s32 $0x1, s12  }
0xe6: {  	p0 =	sne.s32 s12, s14  }
.Ltmp1:
0xe7: {  	_ = 	snop;
	(pc) =	sbr.rel @p0 .LBB2_1-.Ltmp1, $3  }
0xe8: {  	_ =	sdelay $0x1  }
0xe9: {  	[sflag:s10] =	ssyncset.done $0x0  }
0xea: {  	[sflag:s10] =	ssyncadd.s32 $0xFFFFE700  }
0xeb: {  	_ =	sfence.sel $0x180000  }
0xec: {  	[bflag:$0x0] =	sbarrier.arrive $0xFFFF  }
0xed: {  	_ =	strace $0x90000047  }
0xee: {  	s0 =	stileid.u32;
	[bflag:$0x2] =	sbarrier.arrive $0xFFFF  }
0xef: {  	p0 =	sne.s32 s0, $0x0;
	s0 =	rddreg [dreg:$0x2]  }
0xf0: {  	s0 =	sadd.s32 @!p0 $0x100000, s0  }
0xf1: {  	[sflag:s0] =	ssyncadd.tile.s32 @!p0 $0x1;
	_ =	shalt  }
.Lfunc_end2:
_tile_overlayer_lowered:
.L_overlay_start_2:
0xf2: {  	(tag) =	ssettag $0x2  }
0xf3: {  	s0 =	rddreg [dreg:$0x0];
	s2 =	stileid.u32  }
0xf4: {  	s1 =	rddreg [dreg:$0x1];
	p0 =	sne.s32 s2, $0x0  }
0xf5: {  	s3 =	rddreg [dreg:$0x2];
	[bflag:$0x3] =	sbarrier.arrive $0xFFFF;
	s2 =	simm.s32 @!p0 $0x1C11  }
0xf6: {  	[timem:s3], [sflag:s2] =	dma.local @!p0 [hbm:s0], s1  }
0xf7: {  	s0 =	simm.s32 @!p0 $0x11  }
0xf8: {  	_ =	swait.ge @!p0 [sflag:s0], s1  }
0xf9: {  	s1 =	ssub.s32 @!p0 $0x0, s1;
	[sflag:s0] =	ssyncset.done @!p0 $0x0  }
0xfa: {  	[sflag:s0] =	ssyncadd.s32 @!p0 s1  }
0xfb: {  	[bflag:$0x3] =	sbarrier.arrive $0xFFFF  }
0xfc: {  	_ =	shalt  }

// kernel: sparse-core-data-format-call.cloned.1.call-start
scs
called_computation_lowered:
.L_overlay_start_0:
0x0: {  	s2 =	sld [smem:$0x3FD9]  }
0x1: {  	s3 =	sld [smem:$0x3FFE];
	_ =	sdelay $0x1  }
0x2: {  	s1 =	srdreg.scid  }
0x3: {  	s0 =	sand.u32 $0x1, s1  }
0x4: {  	s18 =	sshll.u32 s0, $0xA;
	s2 =	sadd.s32 s3, s2  }
0x5: {  	s2 =	sadd.s32 s2, s18  }
0x6: {  	[smem:$0x3FC6] =	sst s2  }
0x7: {  	_ = 	snop  }
0x8: {  	s2 =	sld [smem:$0x3FD0];
	(tm) =	ssettm $0x1  }
0x9: {  	s19 =	sld [smem:$0x3FFB];
	_ =	sdelay $0x3  }
0xa: {  	_ =	strace s19  }
0xb: {  	s3 =	sld [smem:$0x3FFC];
	_ =	sdelay $0x3  }
0xc: {  	_ =	strace s3  }
0xd: {  	s3 =	sld [smem:$0x3FFD];
	_ =	sdelay $0x3  }
0xe: {  	_ =	strace s3  }
0xf: {  	_ =	strace $0x8FFFFFFF  }
0x10: {  	s20 =	sld [smem:$0x3FDB];
	_ =	sdelay $0x1  }
0x11: {  	s4 =	simm.s32 $_scs_section_size  }
0x12: {  	s5 =	simm.s32 $_size__tile_overlayer_lowered;
	s6 =	simm.s32 $_tile_overlayer_lowered  }
0x13: {  	s23 =	simm.s32 $0x1BFF;
	s22 =	sshll.u32 s6, $0x1;
	s3 =	sadd.s32 s4, s20  }
0x14: {  	s7 =	simm.s32 $0x0;
	s21 =	sshll.u32 s5, $0x1;
	s5 =	sadd.s32 s22, s3  }
0x15: {  	[timem:s7], [sflag:s23] =	dma.local [hbm:s5], s21  }
0x16: {  	_ =	swait.ge [sflag:s23], s21  }
0x17: {  	s4 =	ssub.s32 $0x0, s21;
	[sflag:s23] =	ssyncset.done $0x0  }
0x18: {  	[sflag:s23] =	ssyncadd.s32 s4;
	_ =	sdelay $0x1  }
0x19: {  	s24 =	simm.s32 $0x1B8B  }
0x1a: {  	_ =	swait.ge [sflag:s24], $0x1  }
0x1b: {  	[sflag:s24] =	ssyncset.done $0x0  }
0x1c: {  	s26 =	simm.s32 $0x1B8E;
	s25 =	sld [smem:$0x3FFE];
	[sflag:s24] =	ssyncadd.s32 $0xFFFFFFFF  }
0x1d: {  	s27 =	simm.s32 $execute0_lowered;
	[smem:$0x3FD2] =	sst s26  }
0x1e: {  	s5 =	sshll.u32 s27, $0x1;
	_ =	strace $0x80000049;
	[dreg:$0x1] =	wrdreg $0xFFFFFFFF  }
0x1f: {  	s28 =	simm.s32 $_size_execute0_lowered;
	s3 =	sadd.s32 s3, s5;
	[dreg:$0x0] =	wrdreg $0x0  }
0x20: {  	s5 =	sshll.u32 s28, $0x1;
	[dreg:$0x2] =	wrdreg s3  }
0x21: {  	[dreg:$0x3] =	wrdreg s5  }
0x22: {  	[dreg:$0x4] =	wrdreg $0xC0  }
0x23: {  	_ =	task [dreg:s7], $0x5FFFF  }
0x24: {  	[dreg:$0x1] =	wrdreg $0xFFFFFFFF  }
0x25: {  	[dreg:$0x0] =	wrdreg $0x60  }
0x26: {  	[dreg:$0x2] =	wrdreg s25  }
0x27: {  	[dreg:$0x3] =	wrdreg s2  }
0x28: {  	[dreg:$0x4] =	wrdreg $0x9  }
0x29: {  	_ =	task.clear_ibuf [dreg:s7], $0x5FFFF;
	_ =	strace $0x90000049  }
0x2a: {  	s29 =	simm.s32 $0x9;
	_ =	strace $0x8000004B  }
0x2b: {  	_ =	swait.ge [sflag:s29], $0x1  }
0x2c: {  	[sflag:s29] =	ssyncadd.s32 $0xFFFFFFFF  }
0x2d: {  	_ =	strace $0x9000004B  }
0x2e: {  	_ =	sfence  }
0x2f: {  	s30 =	sld [smem:$0x0];
	_ =	sdelay $0x2  }
0x30: {  	s31 =	sshll.u32 s1, $0xD;
	s1 =	sshrl.u32 s1, $0x2  }
0x31: {  	s3 =	sand.u32 $0x4000, s31;
	s1 =	sadd.s32 s1, s30  }
0x32: {  	s0 =	sor.u32 s3, s0;
	s1 =	sshll.u32 s1, $0x11  }
0x33: {  	s0 =	sor.u32 s1, s0  }
0x34: {  	s0 =	sadd.s32 $0x8F2B, s0  }
0x35: {  	[sflag:s0] =	ssyncadd.remote.s32 $0x1  }
0x36: {  	_ =	sfence.sel $0xFFFF  }
0x37: {  	[dreg:$0x0] =	wrdreg $0xFFFFFFFF;
	(pc) =	sbr.abs _section_cstart, $3  }
0x38: {  	[dreg:$0x1] =	wrdreg $0xFFFFFFFF  }
0x39: {  	_ =	task.clear_ibuf [dreg:s7], $0x2FFFF;
	_ =	strace $0x9FFFFFFF  }
0x3a: {  	(tm) =	ssettm $0x7FFFFFFF  }
0x3b: {  	_ =	shalt  }
tec
execute0_lowered:
.L_overlay_start_1:
0x0: {  	(tag) =	ssettag $0x1  }
0x1: {  	s0 =	srdreg.scid  }
0x2: {  	s1 =	sshll.u32 s0, $0x4  }
0x3: {  	s0 =	stileid.u32;
	s1 =	sand.u32 $0x10, s1  }
0x4: {  	s1 =	sor.u32 s0, s1  }
0x5: {  	s6 =	rddreg [dreg:$0x0];
	s4 =	simm.s32 $0x1;
	s2 =	sshll.u32 s1, $0x7  }
0x6: {  	s7 =	simm.s32 $0x2;
	s12 =	simm.s32 $0x0;
	s1 =	ssub.s32 $0x1000, s2  }
0x7: {  	s8 =	simm.s32 $0x8000;
	s13 =	simm.s32 $0x0;
	s3 =	sand.u32 $0xF80, s1  }
0x8: {  	s9 =	simm.s32 $0x0;
	s5 =	sshrl.u32 s1, $0xC;
	p0 =	sne.s32 s3, $0x0  }
.Ltmp0:
0x9: {  	s1 =	rddreg [dreg:$0x2];
	s4 =	simm.s32 @!p0 $0x0;
	(pc) =	sbr.rel .LBB1_1-.Ltmp0, $4  }
0xa: {  	s11 =	simm.s32 $0x0;
	s3 =	rddreg [dreg:$0x1];
	s5 =	sadd.s32 s4, s5  }
0xb: {  	_ =	strace $0x8000004A;
	s4 =	simm.s32 $0x1;
	s5 =	smul.u32 $0xC8, s5  }
0xc: {  	s6 =	sadd.s32 $0xA00, s6;
	s10 =	smov.u32 s2;
	[sflag:s4] =	ssyncpa.u1 $0x0  }
0xd: {  	p0 =	por $0x0, $0x0;
	[sflag:s7] =	ssyncpa.u1 $0x0;
	s7 =	sor.u32 $0x1, s5  }
.LBB1_4:
0xe: {  	s16 =	sshll.u32 s13, $0x3;
	s17 =	sand.u32 $0x78, s13  }
0xf: {  	s30 =	sand.u32 $0x3E00, s13;
	s12 =	sshll.u32 s12, $0xE;
	s16 =	sand.u32 $0xC00, s16  }
0x10: {  	s31 =	sand.u32 $0x7, s13;
	s16 =	sor.u32 s17, s16;
	s17 =	sadd.s32 s3, s30  }
0x11: {  	s13 =	sshll.u32 s31, $0x12;
	s16 =	sshrl.u32 s16, $0x3;
	s12 =	sadd.s32 s12, s17  }
0x12: {  	[tilespmem:s15+$0x0 ss:$0x81] =	vst.msk $0xffff, v0;
	s13 =	sor.u32 $0x400, s13;
	s12 =	sadd.s32 s16, s12  }
0x13: {  	[hbm4b:s12+s13] =	stream.strided.scatter [tilespmem:s14], [sflag:$0x2], $0x1000, s8, s13, $0x20;
	[tilespmem:$0x4040] =	vst v63  }
.LBB1_5:
0x14: {  	s14 =	sadd.s32 $0x1, s9  }
0x15: {  	s12 =	sadd.s32 $0x1000, s10;
	s16 =	smov.u32 s10;
	p2 =	sgt.s32 s14, $0xC7  }
0x16: {  	s16 =	smov.u32 @p2 s12  }
0x17: {  	s14 =	simm.s32 @p2 $0x0;
	p2 =	sgt.s32 s16, $0xFFF  }
0x18: {  	s16 =	smov.u32 @p2 s2;
	p2 =	sne.s32 s11, s7  }
.Ltmp1:
0x19: {  	p1 =	slt.u32 s11, $0x2;
	(pc) =	sbr.rel @!p2 .LBB1_6-.Ltmp1, $4  }
0x1a: {  	s15 =	simm.s32 @!p1 $0x2  }
0x1b: {  	s13 =	smov.u32 s10;
	p0 =	por !p0, !p0;
	_ =	swait.ge @!p1 [sflag:s15], $0x1000  }
0x1c: {  	s12 =	smov.u32 s9;
	[sflag:s15] =	ssyncset.done @!p1 $0x0;
	s9 =	smov.u32 s14  }
0x1d: {  	s11 =	sadd.s32 $0x1, s11;
	[sflag:s15] =	ssyncadd.s32 @!p1 $0xFFFFF000;
	s10 =	smov.u32 s16  }
.LBB1_1:
0x1e: {  	p1 =	sge.u32 s11, s5  }
0x1f: {  	s14 =	sand.u32 @!p1 $0x1FFFFFF, s9  }
0x20: {  	s15 =	smulhi.u32 @!p1 $0x147AE15, s14;
	_ =	sdelay $0x1  }
0x21: {  	s15 =	smul.u32 @!p1 $0xC8, s15  }
0x22: {  	s16 =	sxor.u32 @!p1 $0xFFFFFFFF, s11;
	s17 =	smul.u32 @!p1 $0xC80, s10  }
0x23: {  	s31 =	sadd.s32 $0xFFFFFFFF, s11;
	s16 =	sshll.u32 @!p1 s16, $0xC;
	s14 =	ssub.s32 @!p1 s14, s15  }
0x24: {  	s15 =	sand.u32 @!p1 $0x1000, s16;
	s16 =	sadd.s32 @!p1 s6, s17;
	s14 =	sshll.u32 @!p1 s14, $0x4  }
0x25: {  	s17 =	simm.s32 @!p1 $0x6400;
	s14 =	sadd.s32 @!p1 s14, s16;
	s16 =	simm.s32 @!p1 $0x20  }
0x26: {  	[tilespmem:s15], [sflag:$0x1] =	stream.strided.gather @!p1 [hbm4b:s14+s16], $0x1000, s17, s16, $0x38;
	[tilespmem:$0x4040] =	vst v63  }
0x27: {  	p1 =	sge.u32 s31, s5  }
.Ltmp2:
0x28: {  	_ = 	snop;
	(pc) =	sbr.rel @p1 .LBB1_5-.Ltmp2, $1  }
0x29: {  	_ =	sdelay $0x3  }
0x2a: {  	s14 =	simm.s32 $0x1  }
0x2b: {  	_ =	swait.ge [sflag:s4], $0x1000;
	s14 =	simm.s32 @!p0 $0x0  }
0x2c: {  	[sflag:s4] =	ssyncset.done $0x0;
	s15 =	sshll.u32 s14, $0xC  }
0x2d: {  	[sflag:s4] =	ssyncadd.s32 $0xFFFFF000;
	s18 =	sor.u32 $0x10, s15  }
0x2e: {  	s14 =	smul.u32 $0x4080, s14;
	v1 =	vld [tilespmem:s18+$0x0]  }
0x2f: {  	s30 =	sand.u32 $0x1, s11;
	v0 =	vld [tilespmem:s18+$0xFFFFFFF0]  }
0x30: {  	s15 =	smul.u32 $0x4080, s30;
	s14 =	sshrl.u32 s14, $0x2  }
0x31: {  	s16 =	sor.u32 $0x2000, s14  }
0x32: {  	s31 =	sshrl.u32 s15, $0x2;
	s15 =	sadd.s32 $0x0, s16  }
0x33: {  	s17 =	simm.s32 $0x4;
	s18 =	sadd.s32 $0x20, s18;
	s14 =	sor.u32 $0x2000, s31;
	[tilespmem:s15+$0x810 ss:$0x81] =	vst.msk $0xffff, v1  }
.LBB1_3:
0x34: {  	v1 =	vld [tilespmem:s18+$0x0];
	p1 =	sne.s32 s17, $0x1FC;
	[tilespmem:s15+$0x0 ss:$0x81] =	vst.msk $0xffff, v0;
	s15 =	smov.u32 s17;
	s17 =	sadd.s32 $0x4, s17  }
.Ltmp3:
0x35: {  	v0 =	vld [tilespmem:s18+$0xFFFFFFF0];
	(pc) =	sbr.rel @p1 .LBB1_3-.Ltmp3, $4  }
0x36: {  	_ = 	snop  }
0x37: {  	s15 =	sshra.s32 s15, $0x2  }
0x38: {  	s15 =	sadd.s32 s15, s16  }
0x39: {  	s18 =	sadd.s32 $0x20, s18;
	[tilespmem:s15+$0x810 ss:$0x81] =	vst.msk $0xffff, v1  }
.Ltmp4:
0x3a: {  	_ = 	snop;
	(pc) =	sbr.rel .LBB1_4-.Ltmp4, $1  }
0x3b: {  	_ =	sdelay $0x3  }
.LBB1_6:
0x3c: {  	_ =	sfence.sel $0x180000  }
0x3d: {  	s2 =	simm.s32 $0x1;
	[bflag:$0x0] =	sbarrier.arrive $0xFFFF  }
0x3e: {  	s31 =	simm.s32 $0x2;
	[sflag:s2] =	ssyncpa.u1 $0x1  }
0x3f: {  	[sflag:s31] =	ssyncpa.u1 $0x1  }
0x40: {  	p0 =	sne.s32 s0, $0x0;
	_ =	strace $0x9000004A  }
0x41: {  	s0 =	sadd.s32 @!p0 $0x100000, s1;
	[bflag:$0x2] =	sbarrier.arrive $0xFFFF  }
0x42: {  	[sflag:s0] =	ssyncadd.tile.s32 @!p0 $0x1;
	_ =	shalt  }
.Lfunc_end1:
_tile_overlayer_lowered:
.L_overlay_start_2:
0x43: {  	(tag) =	ssettag $0x2  }
0x44: {  	s0 =	rddreg [dreg:$0x0];
	s2 =	stileid.u32  }
0x45: {  	s1 =	rddreg [dreg:$0x1];
	p0 =	sne.s32 s2, $0x0  }
0x46: {  	s3 =	rddreg [dreg:$0x2];
	[bflag:$0x3] =	sbarrier.arrive $0xFFFF;
	s2 =	simm.s32 @!p0 $0x1C01  }
0x47: {  	[timem:s3], [sflag:s2] =	dma.local @!p0 [hbm:s0], s1  }
0x48: {  	s0 =	simm.s32 @!p0 $0x1  }
0x49: {  	_ =	swait.ge @!p0 [sflag:s0], s1  }
0x4a: {  	s1 =	ssub.s32 @!p0 $0x0, s1;
	[sflag:s0] =	ssyncset.done @!p0 $0x0  }
0x4b: {  	[sflag:s0] =	ssyncadd.s32 @!p0 s1  }
0x4c: {  	[bflag:$0x3] =	sbarrier.arrive $0xFFFF  }
0x4d: {  	_ =	shalt  }

</sc_bundles>
